<compile_context>
chip_gen: v7x
topology: tpu7x:2x2x1
jax: 0.10.2.dev20260603
libtpu: 0.0.44.dev20260713+nightly
codegen_flags: <defaults>
</compile_context>

<pallas_src>
import functools

import numpy as np
import jax
import jax.numpy as jnp
from jax import lax
from jax.experimental import pallas as pl
from jax.experimental.pallas import tpu as pltpu
from jax.experimental.pallas import tpu_sc as plsc

_B, _N, _DIM = 64, 576, 768
_REMAIN = _N - int(_N * 0.75)
_NW = 32
_ROWS = _B * _REMAIN
_RPW = _ROWS // _NW
_CHUNK = 48
_NCHUNK = _RPW // _CHUNK
_NBUF = 3


@functools.cache
def _shuffle_constants():
    cpu = jax.local_devices(backend="cpu")[0]
    with jax.ensure_compile_time_eval(), jax.default_device(cpu):
        pkey = jax.random.key(42)
        keys = jax.random.split(pkey, _B)
        fwd = jnp.stack(
            [jax.random.permutation(k, _N) for k in keys], axis=0
        ).astype(jnp.int64)
        bwd = jnp.argsort(fwd, axis=1)
        fwd_np = np.asarray(fwd)
        bwd_np = np.asarray(bwd)
    rows = (
        np.arange(_B, dtype=np.int32)[:, None] * _N
        + fwd_np[:, :_REMAIN].astype(np.int32)
    ).reshape(-1)
    return fwd_np, bwd_np, rows


def _gather_body(table, idx, out, idx_v, buf0, buf1, buf2, gsem, wsem):
    wid = lax.axis_index("s") * 2 + lax.axis_index("c")
    base = wid * _RPW
    pltpu.sync_copy(idx.at[pl.ds(base, _RPW)], idx_v)
    bufs = (buf0, buf1, buf2)

    def start_gather(j):
        return pltpu.async_copy(
            table.at[idx_v.at[pl.ds(j * _CHUNK, _CHUNK)]], bufs[j % _NBUF], gsem
        )

    gathers = [None] * _NCHUNK
    writes = [None] * _NCHUNK
    gathers[0] = start_gather(0)
    gathers[1] = start_gather(1)
    for j in range(_NCHUNK):
        gathers[j].wait()
        writes[j] = pltpu.async_copy(
            bufs[j % _NBUF], out.at[pl.ds(base + j * _CHUNK, _CHUNK)], wsem
        )
        if j + 2 < _NCHUNK:
            if j >= 1:
                writes[j - 1].wait()
            gathers[j + 2] = start_gather(j + 2)
    for j in range(max(_NCHUNK - 3, 0), _NCHUNK):
        writes[j].wait()


def kernel(patches):
    fwd_np, bwd_np, rows = _shuffle_constants()
    table = patches.reshape(_B * _N, _DIM)
    gather = pl.kernel(
        _gather_body,
        out_type=jax.ShapeDtypeStruct((_ROWS, _DIM), jnp.float32),
        mesh=plsc.VectorSubcoreMesh(core_axis_name="c", subcore_axis_name="s"),
        scratch_types=[
            pltpu.VMEM((_RPW,), jnp.int32),
            pltpu.VMEM((_CHUNK, _DIM), jnp.float32),
            pltpu.VMEM((_CHUNK, _DIM), jnp.float32),
            pltpu.VMEM((_CHUNK, _DIM), jnp.float32),
            pltpu.SemaphoreType.DMA,
            pltpu.SemaphoreType.DMA,
        ],
    )
    out = gather(table, jnp.asarray(rows)).reshape(_B, _REMAIN, _DIM)
    return (out, jnp.asarray(fwd_np), jnp.asarray(bwd_np))

# --- scband reference (transcript-rebuilt; emitter-appended) ---
"""Pipeline reference for scband-patch-shuffle-214748365462 (READ-ONLY COPY).

The authoritative reference and input builder live on the scoring server;
editing this copy changes nothing except your own understanding.
"""

import jax, jax.numpy as jnp
import numpy as np

RATIO = 0.75

def setup_inputs(seed: int = 0) -> dict:
    key = jax.random.key(seed)
    patches = jax.random.normal(key, (64, 576, 768), dtype=jnp.float32)
    return {"patches": patches}

def reference(patches):
    B, N, dim = patches.shape
    remain_N = int(N * (1 - RATIO))
    # per-sample random permutations (faithful to random_indexes per batch element)
    pkey = jax.random.key(42)
    keys = jax.random.split(pkey, B)
    forward_indexes = jnp.stack([jax.random.permutation(k, N) for k in keys], axis=0).astype(jnp.int64)  # [B, N]
    backward_indexes = jnp.argsort(forward_indexes, axis=1)  # [B, N]
    # take_indexes: gather along sequence dim, broadcast index over feature dim
    shuffled = jnp.take_along_axis(patches, forward_indexes[:, :, None], axis=1)  # [B, N, dim]
    out = shuffled[:, :remain_N, :]
    return (out, forward_indexes, backward_indexes)

if __name__ == "__main__":
    import jax
    _d = setup_inputs()
    print(jax.jit(kernel)(*tuple(_d.values())))

</pallas_src>

<mosaic_0001>
#map = affine_map<(d0, d1) -> (0, 0)>
#map1 = affine_map<(d0, d1) -> (0)>
module attributes {stable_mosaic.version = 14 : i64} {
  func.func @_gather_body(%arg0: i32, %arg1: i32, %arg2: memref<36864x768xf32, #tpu.memory_space<hbm>>, %arg3: memref<9216xi32, #tpu.memory_space<hbm>>, %arg4: memref<9216x768xf32, #tpu.memory_space<hbm>>, %arg5: memref<288xi32, #tpu.memory_space<vmem>>, %arg6: memref<48x768xf32, #tpu.memory_space<vmem>>, %arg7: memref<48x768xf32, #tpu.memory_space<vmem>>, %arg8: memref<48x768xf32, #tpu.memory_space<vmem>>, %arg9: memref<!tpu.dma_semaphore, #tpu.memory_space<semaphore_mem>>, %arg10: memref<!tpu.dma_semaphore, #tpu.memory_space<semaphore_mem>>) attributes {dimension_semantics = [#tpu.dimension_semantics<core_parallel>, #tpu.dimension_semantics<subcore_parallel>], iteration_bounds = array<i64: 2, 16>, scalar_prefetch = 0 : i64, scratch_operands = 6 : i64, tpu.core_type = #tpu.core_type<sc_vector_subcore>, window_params = [{transform_indices = #map}, {transform_indices = #map1}, {transform_indices = #map}]} {
    %mul3A = arith.constant 2 : i32
    %mul3A_0 = arith.muli %arg1, %mul3A : i32
    %add3A = arith.addi %mul3A_0, %arg0 : i32
    %mul3A_1 = arith.constant 288 : i32
    %mul3A_2 = arith.muli %add3A, %mul3A_1 : i32
    "tpu.region"() ({
      %run_scoped3A = tpu.sem_alloc : memref<!tpu.dma_semaphore, #tpu.memory_space<semaphore_mem>>
      %dma_start3A_121 = tpu.memref_slice %arg3[%mul3A_2] : memref<9216xi32, #tpu.memory_space<hbm>> -> memref<288xi32, #tpu.memory_space<hbm>>
      %dma_start3A_122 = tpu.memref_slice %arg3[%mul3A_2] : memref<9216xi32, #tpu.memory_space<hbm>> -> memref<288xi32, #tpu.memory_space<hbm>>
      tpu.enqueue_dma source(%dma_start3A_122 : memref<288xi32, #tpu.memory_space<hbm>>) target(%arg5 : memref<288xi32, #tpu.memory_space<vmem>>) target_semaphore(%run_scoped3A : memref<!tpu.dma_semaphore, #tpu.memory_space<semaphore_mem>>)
      %dma_wait3A_123 = tpu.memref_slice %arg3[%mul3A_2] : memref<9216xi32, #tpu.memory_space<hbm>> -> memref<288xi32, #tpu.memory_space<hbm>>
      %dma_wait3A_124 = tpu.memref_slice %arg3[%mul3A_2] : memref<9216xi32, #tpu.memory_space<hbm>> -> memref<288xi32, #tpu.memory_space<hbm>>
      tpu.wait_dma2 semaphore(%run_scoped3A : memref<!tpu.dma_semaphore, #tpu.memory_space<semaphore_mem>>) src(%dma_wait3A_124 : memref<288xi32, #tpu.memory_space<hbm>>) dst(%arg5 : memref<288xi32, #tpu.memory_space<vmem>>)
      tpu.yield
    }) : () -> ()
    %dma_start3A = arith.constant 0 : i32
    %dma_start3A_3 = tpu.memref_slice %arg5[%dma_start3A] : memref<288xi32, #tpu.memory_space<vmem>> -> memref<48xi32, #tpu.memory_space<vmem>>
    %dma_start3A_4 = arith.constant 0 : i32
    %dma_start3A_5 = arith.constant 0 : i32
    %dma_start3A_6 = tpu.memref_slice %arg2[%dma_start3A_4, %dma_start3A_5] : memref<36864x768xf32, #tpu.memory_space<hbm>> -> memref<36864x768xf32, #tpu.memory_space<hbm>>
    tpu.enqueue_indirect_dma source(%dma_start3A_6 : memref<36864x768xf32, #tpu.memory_space<hbm>>) target(%arg6 : memref<48x768xf32, #tpu.memory_space<vmem>>) offsets(%dma_start3A_3 : memref<48xi32, #tpu.memory_space<vmem>>) semaphore(%arg9 : memref<!tpu.dma_semaphore, #tpu.memory_space<semaphore_mem>>)
    %dma_start3A_7 = arith.constant 48 : i32
    %dma_start3A_8 = tpu.memref_slice %arg5[%dma_start3A_7] : memref<288xi32, #tpu.memory_space<vmem>> -> memref<48xi32, #tpu.memory_space<vmem>>
    %dma_start3A_9 = arith.constant 0 : i32
    %dma_start3A_10 = arith.constant 0 : i32
    %dma_start3A_11 = tpu.memref_slice %arg2[%dma_start3A_9, %dma_start3A_10] : memref<36864x768xf32, #tpu.memory_space<hbm>> -> memref<36864x768xf32, #tpu.memory_space<hbm>>
    tpu.enqueue_indirect_dma source(%dma_start3A_11 : memref<36864x768xf32, #tpu.memory_space<hbm>>) target(%arg7 : memref<48x768xf32, #tpu.memory_space<vmem>>) offsets(%dma_start3A_8 : memref<48xi32, #tpu.memory_space<vmem>>) semaphore(%arg9 : memref<!tpu.dma_semaphore, #tpu.memory_space<semaphore_mem>>)
    %dma_wait3A = arith.constant 0 : i32
    %dma_wait3A_12 = tpu.memref_slice %arg5[%dma_wait3A] : memref<288xi32, #tpu.memory_space<vmem>> -> memref<48xi32, #tpu.memory_space<vmem>>
    %dma_wait3A_13 = arith.constant 0 : i32
    %dma_wait3A_14 = arith.constant 0 : i32
    %dma_wait3A_15 = tpu.memref_slice %arg2[%dma_wait3A_13, %dma_wait3A_14] : memref<36864x768xf32, #tpu.memory_space<hbm>> -> memref<36864x768xf32, #tpu.memory_space<hbm>>
    tpu.wait_indirect_dma semaphore(%arg9 : memref<!tpu.dma_semaphore, #tpu.memory_space<semaphore_mem>>) src(%dma_wait3A_15 : memref<36864x768xf32, #tpu.memory_space<hbm>>) dst(%arg6 : memref<48x768xf32, #tpu.memory_space<vmem>>)
    %add3A_16 = arith.constant 0 : i32
    %add3A_17 = arith.addi %mul3A_2, %add3A_16 : i32
    %dma_start3A_18 = arith.constant 0 : i32
    %dma_start3A_19 = tpu.memref_slice %arg4[%add3A_17, %dma_start3A_18] : memref<9216x768xf32, #tpu.memory_space<hbm>> -> memref<48x768xf32, #tpu.memory_space<hbm>>
    %dma_start3A_20 = arith.constant 0 : i32
    %dma_start3A_21 = tpu.memref_slice %arg4[%add3A_17, %dma_start3A_20] : memref<9216x768xf32, #tpu.memory_space<hbm>> -> memref<48x768xf32, #tpu.memory_space<hbm>>
    tpu.enqueue_dma source(%arg6 : memref<48x768xf32, #tpu.memory_space<vmem>>) target(%dma_start3A_21 : memref<48x768xf32, #tpu.memory_space<hbm>>) target_semaphore(%arg10 : memref<!tpu.dma_semaphore, #tpu.memory_space<semaphore_mem>>)
    %dma_start3A_22 = arith.constant 96 : i32
    %dma_start3A_23 = tpu.memref_slice %arg5[%dma_start3A_22] : memref<288xi32, #tpu.memory_space<vmem>> -> memref<48xi32, #tpu.memory_space<vmem>>
    %dma_start3A_24 = arith.constant 0 : i32
    %dma_start3A_25 = arith.constant 0 : i32
    %dma_start3A_26 = tpu.memref_slice %arg2[%dma_start3A_24, %dma_start3A_25] : memref<36864x768xf32, #tpu.memory_space<hbm>> -> memref<36864x768xf32, #tpu.memory_space<hbm>>
    tpu.enqueue_indirect_dma source(%dma_start3A_26 : memref<36864x768xf32, #tpu.memory_space<hbm>>) target(%arg8 : memref<48x768xf32, #tpu.memory_space<vmem>>) offsets(%dma_start3A_23 : memref<48xi32, #tpu.memory_space<vmem>>) semaphore(%arg9 : memref<!tpu.dma_semaphore, #tpu.memory_space<semaphore_mem>>)
    %dma_wait3A_27 = arith.constant 48 : i32
    %dma_wait3A_28 = tpu.memref_slice %arg5[%dma_wait3A_27] : memref<288xi32, #tpu.memory_space<vmem>> -> memref<48xi32, #tpu.memory_space<vmem>>
    %dma_wait3A_29 = arith.constant 0 : i32
    %dma_wait3A_30 = arith.constant 0 : i32
    %dma_wait3A_31 = tpu.memref_slice %arg2[%dma_wait3A_29, %dma_wait3A_30] : memref<36864x768xf32, #tpu.memory_space<hbm>> -> memref<36864x768xf32, #tpu.memory_space<hbm>>
    tpu.wait_indirect_dma semaphore(%arg9 : memref<!tpu.dma_semaphore, #tpu.memory_space<semaphore_mem>>) src(%dma_wait3A_31 : memref<36864x768xf32, #tpu.memory_space<hbm>>) dst(%arg7 : memref<48x768xf32, #tpu.memory_space<vmem>>)
    %add3A_32 = arith.constant 48 : i32
    %add3A_33 = arith.addi %mul3A_2, %add3A_32 : i32
    %dma_start3A_34 = arith.constant 0 : i32
    %dma_start3A_35 = tpu.memref_slice %arg4[%add3A_33, %dma_start3A_34] : memref<9216x768xf32, #tpu.memory_space<hbm>> -> memref<48x768xf32, #tpu.memory_space<hbm>>
    %dma_start3A_36 = arith.constant 0 : i32
    %dma_start3A_37 = tpu.memref_slice %arg4[%add3A_33, %dma_start3A_36] : memref<9216x768xf32, #tpu.memory_space<hbm>> -> memref<48x768xf32, #tpu.memory_space<hbm>>
    tpu.enqueue_dma source(%arg7 : memref<48x768xf32, #tpu.memory_space<vmem>>) target(%dma_start3A_37 : memref<48x768xf32, #tpu.memory_space<hbm>>) target_semaphore(%arg10 : memref<!tpu.dma_semaphore, #tpu.memory_space<semaphore_mem>>)
    %dma_wait3A_38 = arith.constant 0 : i32
    %dma_wait3A_39 = tpu.memref_slice %arg4[%add3A_17, %dma_wait3A_38] : memref<9216x768xf32, #tpu.memory_space<hbm>> -> memref<48x768xf32, #tpu.memory_space<hbm>>
    %dma_wait3A_40 = arith.constant 0 : i32
    %dma_wait3A_41 = tpu.memref_slice %arg4[%add3A_17, %dma_wait3A_40] : memref<9216x768xf32, #tpu.memory_space<hbm>> -> memref<48x768xf32, #tpu.memory_space<hbm>>
    tpu.wait_dma2 semaphore(%arg10 : memref<!tpu.dma_semaphore, #tpu.memory_space<semaphore_mem>>) src(%arg6 : memref<48x768xf32, #tpu.memory_space<vmem>>) dst(%dma_wait3A_41 : memref<48x768xf32, #tpu.memory_space<hbm>>)
    %dma_start3A_42 = arith.constant 144 : i32
    %dma_start3A_43 = tpu.memref_slice %arg5[%dma_start3A_42] : memref<288xi32, #tpu.memory_space<vmem>> -> memref<48xi32, #tpu.memory_space<vmem>>
    %dma_start3A_44 = arith.constant 0 : i32
    %dma_start3A_45 = arith.constant 0 : i32
    %dma_start3A_46 = tpu.memref_slice %arg2[%dma_start3A_44, %dma_start3A_45] : memref<36864x768xf32, #tpu.memory_space<hbm>> -> memref<36864x768xf32, #tpu.memory_space<hbm>>
    tpu.enqueue_indirect_dma source(%dma_start3A_46 : memref<36864x768xf32, #tpu.memory_space<hbm>>) target(%arg6 : memref<48x768xf32, #tpu.memory_space<vmem>>) offsets(%dma_start3A_43 : memref<48xi32, #tpu.memory_space<vmem>>) semaphore(%arg9 : memref<!tpu.dma_semaphore, #tpu.memory_space<semaphore_mem>>)
    %dma_wait3A_47 = arith.constant 96 : i32
    %dma_wait3A_48 = tpu.memref_slice %arg5[%dma_wait3A_47] : memref<288xi32, #tpu.memory_space<vmem>> -> memref<48xi32, #tpu.memory_space<vmem>>
    %dma_wait3A_49 = arith.constant 0 : i32
    %dma_wait3A_50 = arith.constant 0 : i32
    %dma_wait3A_51 = tpu.memref_slice %arg2[%dma_wait3A_49, %dma_wait3A_50] : memref<36864x768xf32, #tpu.memory_space<hbm>> -> memref<36864x768xf32, #tpu.memory_space<hbm>>
    tpu.wait_indirect_dma semaphore(%arg9 : memref<!tpu.dma_semaphore, #tpu.memory_space<semaphore_mem>>) src(%dma_wait3A_51 : memref<36864x768xf32, #tpu.memory_space<hbm>>) dst(%arg8 : memref<48x768xf32, #tpu.memory_space<vmem>>)
    %add3A_52 = arith.constant 96 : i32
    %add3A_53 = arith.addi %mul3A_2, %add3A_52 : i32
    %dma_start3A_54 = arith.constant 0 : i32
    %dma_start3A_55 = tpu.memref_slice %arg4[%add3A_53, %dma_start3A_54] : memref<9216x768xf32, #tpu.memory_space<hbm>> -> memref<48x768xf32, #tpu.memory_space<hbm>>
    %dma_start3A_56 = arith.constant 0 : i32
    %dma_start3A_57 = tpu.memref_slice %arg4[%add3A_53, %dma_start3A_56] : memref<9216x768xf32, #tpu.memory_space<hbm>> -> memref<48x768xf32, #tpu.memory_space<hbm>>
    tpu.enqueue_dma source(%arg8 : memref<48x768xf32, #tpu.memory_space<vmem>>) target(%dma_start3A_57 : memref<48x768xf32, #tpu.memory_space<hbm>>) target_semaphore(%arg10 : memref<!tpu.dma_semaphore, #tpu.memory_space<semaphore_mem>>)
    %dma_wait3A_58 = arith.constant 0 : i32
    %dma_wait3A_59 = tpu.memref_slice %arg4[%add3A_33, %dma_wait3A_58] : memref<9216x768xf32, #tpu.memory_space<hbm>> -> memref<48x768xf32, #tpu.memory_space<hbm>>
    %dma_wait3A_60 = arith.constant 0 : i32
    %dma_wait3A_61 = tpu.memref_slice %arg4[%add3A_33, %dma_wait3A_60] : memref<9216x768xf32, #tpu.memory_space<hbm>> -> memref<48x768xf32, #tpu.memory_space<hbm>>
    tpu.wait_dma2 semaphore(%arg10 : memref<!tpu.dma_semaphore, #tpu.memory_space<semaphore_mem>>) src(%arg7 : memref<48x768xf32, #tpu.memory_space<vmem>>) dst(%dma_wait3A_61 : memref<48x768xf32, #tpu.memory_space<hbm>>)
    %dma_start3A_62 = arith.constant 192 : i32
    %dma_start3A_63 = tpu.memref_slice %arg5[%dma_start3A_62] : memref<288xi32, #tpu.memory_space<vmem>> -> memref<48xi32, #tpu.memory_space<vmem>>
    %dma_start3A_64 = arith.constant 0 : i32
    %dma_start3A_65 = arith.constant 0 : i32
    %dma_start3A_66 = tpu.memref_slice %arg2[%dma_start3A_64, %dma_start3A_65] : memref<36864x768xf32, #tpu.memory_space<hbm>> -> memref<36864x768xf32, #tpu.memory_space<hbm>>
    tpu.enqueue_indirect_dma source(%dma_start3A_66 : memref<36864x768xf32, #tpu.memory_space<hbm>>) target(%arg7 : memref<48x768xf32, #tpu.memory_space<vmem>>) offsets(%dma_start3A_63 : memref<48xi32, #tpu.memory_space<vmem>>) semaphore(%arg9 : memref<!tpu.dma_semaphore, #tpu.memory_space<semaphore_mem>>)
    %dma_wait3A_67 = arith.constant 144 : i32
    %dma_wait3A_68 = tpu.memref_slice %arg5[%dma_wait3A_67] : memref<288xi32, #tpu.memory_space<vmem>> -> memref<48xi32, #tpu.memory_space<vmem>>
    %dma_wait3A_69 = arith.constant 0 : i32
    %dma_wait3A_70 = arith.constant 0 : i32
    %dma_wait3A_71 = tpu.memref_slice %arg2[%dma_wait3A_69, %dma_wait3A_70] : memref<36864x768xf32, #tpu.memory_space<hbm>> -> memref<36864x768xf32, #tpu.memory_space<hbm>>
    tpu.wait_indirect_dma semaphore(%arg9 : memref<!tpu.dma_semaphore, #tpu.memory_space<semaphore_mem>>) src(%dma_wait3A_71 : memref<36864x768xf32, #tpu.memory_space<hbm>>) dst(%arg6 : memref<48x768xf32, #tpu.memory_space<vmem>>)
    %add3A_72 = arith.constant 144 : i32
    %add3A_73 = arith.addi %mul3A_2, %add3A_72 : i32
    %dma_start3A_74 = arith.constant 0 : i32
    %dma_start3A_75 = tpu.memref_slice %arg4[%add3A_73, %dma_start3A_74] : memref<9216x768xf32, #tpu.memory_space<hbm>> -> memref<48x768xf32, #tpu.memory_space<hbm>>
    %dma_start3A_76 = arith.constant 0 : i32
    %dma_start3A_77 = tpu.memref_slice %arg4[%add3A_73, %dma_start3A_76] : memref<9216x768xf32, #tpu.memory_space<hbm>> -> memref<48x768xf32, #tpu.memory_space<hbm>>
    tpu.enqueue_dma source(%arg6 : memref<48x768xf32, #tpu.memory_space<vmem>>) target(%dma_start3A_77 : memref<48x768xf32, #tpu.memory_space<hbm>>) target_semaphore(%arg10 : memref<!tpu.dma_semaphore, #tpu.memory_space<semaphore_mem>>)
    %dma_wait3A_78 = arith.constant 0 : i32
    %dma_wait3A_79 = tpu.memref_slice %arg4[%add3A_53, %dma_wait3A_78] : memref<9216x768xf32, #tpu.memory_space<hbm>> -> memref<48x768xf32, #tpu.memory_space<hbm>>
    %dma_wait3A_80 = arith.constant 0 : i32
    %dma_wait3A_81 = tpu.memref_slice %arg4[%add3A_53, %dma_wait3A_80] : memref<9216x768xf32, #tpu.memory_space<hbm>> -> memref<48x768xf32, #tpu.memory_space<hbm>>
    tpu.wait_dma2 semaphore(%arg10 : memref<!tpu.dma_semaphore, #tpu.memory_space<semaphore_mem>>) src(%arg8 : memref<48x768xf32, #tpu.memory_space<vmem>>) dst(%dma_wait3A_81 : memref<48x768xf32, #tpu.memory_space<hbm>>)
    %dma_start3A_82 = arith.constant 240 : i32
    %dma_start3A_83 = tpu.memref_slice %arg5[%dma_start3A_82] : memref<288xi32, #tpu.memory_space<vmem>> -> memref<48xi32, #tpu.memory_space<vmem>>
    %dma_start3A_84 = arith.constant 0 : i32
    %dma_start3A_85 = arith.constant 0 : i32
    %dma_start3A_86 = tpu.memref_slice %arg2[%dma_start3A_84, %dma_start3A_85] : memref<36864x768xf32, #tpu.memory_space<hbm>> -> memref<36864x768xf32, #tpu.memory_space<hbm>>
    tpu.enqueue_indirect_dma source(%dma_start3A_86 : memref<36864x768xf32, #tpu.memory_space<hbm>>) target(%arg8 : memref<48x768xf32, #tpu.memory_space<vmem>>) offsets(%dma_start3A_83 : memref<48xi32, #tpu.memory_space<vmem>>) semaphore(%arg9 : memref<!tpu.dma_semaphore, #tpu.memory_space<semaphore_mem>>)
    %dma_wait3A_87 = arith.constant 192 : i32
    %dma_wait3A_88 = tpu.memref_slice %arg5[%dma_wait3A_87] : memref<288xi32, #tpu.memory_space<vmem>> -> memref<48xi32, #tpu.memory_space<vmem>>
    %dma_wait3A_89 = arith.constant 0 : i32
    %dma_wait3A_90 = arith.constant 0 : i32
    %dma_wait3A_91 = tpu.memref_slice %arg2[%dma_wait3A_89, %dma_wait3A_90] : memref<36864x768xf32, #tpu.memory_space<hbm>> -> memref<36864x768xf32, #tpu.memory_space<hbm>>
    tpu.wait_indirect_dma semaphore(%arg9 : memref<!tpu.dma_semaphore, #tpu.memory_space<semaphore_mem>>) src(%dma_wait3A_91 : memref<36864x768xf32, #tpu.memory_space<hbm>>) dst(%arg7 : memref<48x768xf32, #tpu.memory_space<vmem>>)
    %add3A_92 = arith.constant 192 : i32
    %add3A_93 = arith.addi %mul3A_2, %add3A_92 : i32
    %dma_start3A_94 = arith.constant 0 : i32
    %dma_start3A_95 = tpu.memref_slice %arg4[%add3A_93, %dma_start3A_94] : memref<9216x768xf32, #tpu.memory_space<hbm>> -> memref<48x768xf32, #tpu.memory_space<hbm>>
    %dma_start3A_96 = arith.constant 0 : i32
    %dma_start3A_97 = tpu.memref_slice %arg4[%add3A_93, %dma_start3A_96] : memref<9216x768xf32, #tpu.memory_space<hbm>> -> memref<48x768xf32, #tpu.memory_space<hbm>>
    tpu.enqueue_dma source(%arg7 : memref<48x768xf32, #tpu.memory_space<vmem>>) target(%dma_start3A_97 : memref<48x768xf32, #tpu.memory_space<hbm>>) target_semaphore(%arg10 : memref<!tpu.dma_semaphore, #tpu.memory_space<semaphore_mem>>)
    %dma_wait3A_98 = arith.constant 240 : i32
    %dma_wait3A_99 = tpu.memref_slice %arg5[%dma_wait3A_98] : memref<288xi32, #tpu.memory_space<vmem>> -> memref<48xi32, #tpu.memory_space<vmem>>
    %dma_wait3A_100 = arith.constant 0 : i32
    %dma_wait3A_101 = arith.constant 0 : i32
    %dma_wait3A_102 = tpu.memref_slice %arg2[%dma_wait3A_100, %dma_wait3A_101] : memref<36864x768xf32, #tpu.memory_space<hbm>> -> memref<36864x768xf32, #tpu.memory_space<hbm>>
    tpu.wait_indirect_dma semaphore(%arg9 : memref<!tpu.dma_semaphore, #tpu.memory_space<semaphore_mem>>) src(%dma_wait3A_102 : memref<36864x768xf32, #tpu.memory_space<hbm>>) dst(%arg8 : memref<48x768xf32, #tpu.memory_space<vmem>>)
    %add3A_103 = arith.constant 240 : i32
    %add3A_104 = arith.addi %mul3A_2, %add3A_103 : i32
    %dma_start3A_105 = arith.constant 0 : i32
    %dma_start3A_106 = tpu.memref_slice %arg4[%add3A_104, %dma_start3A_105] : memref<9216x768xf32, #tpu.memory_space<hbm>> -> memref<48x768xf32, #tpu.memory_space<hbm>>
    %dma_start3A_107 = arith.constant 0 : i32
    %dma_start3A_108 = tpu.memref_slice %arg4[%add3A_104, %dma_start3A_107] : memref<9216x768xf32, #tpu.memory_space<hbm>> -> memref<48x768xf32, #tpu.memory_space<hbm>>
    tpu.enqueue_dma source(%arg8 : memref<48x768xf32, #tpu.memory_space<vmem>>) target(%dma_start3A_108 : memref<48x768xf32, #tpu.memory_space<hbm>>) target_semaphore(%arg10 : memref<!tpu.dma_semaphore, #tpu.memory_space<semaphore_mem>>)
    %dma_wait3A_109 = arith.constant 0 : i32
    %dma_wait3A_110 = tpu.memref_slice %arg4[%add3A_73, %dma_wait3A_109] : memref<9216x768xf32, #tpu.memory_space<hbm>> -> memref<48x768xf32, #tpu.memory_space<hbm>>
    %dma_wait3A_111 = arith.constant 0 : i32
    %dma_wait3A_112 = tpu.memref_slice %arg4[%add3A_73, %dma_wait3A_111] : memref<9216x768xf32, #tpu.memory_space<hbm>> -> memref<48x768xf32, #tpu.memory_space<hbm>>
    tpu.wait_dma2 semaphore(%arg10 : memref<!tpu.dma_semaphore, #tpu.memory_space<semaphore_mem>>) src(%arg6 : memref<48x768xf32, #tpu.memory_space<vmem>>) dst(%dma_wait3A_112 : memref<48x768xf32, #tpu.memory_space<hbm>>)
    %dma_wait3A_113 = arith.constant 0 : i32
    %dma_wait3A_114 = tpu.memref_slice %arg4[%add3A_93, %dma_wait3A_113] : memref<9216x768xf32, #tpu.memory_space<hbm>> -> memref<48x768xf32, #tpu.memory_space<hbm>>
    %dma_wait3A_115 = arith.constant 0 : i32
    %dma_wait3A_116 = tpu.memref_slice %arg4[%add3A_93, %dma_wait3A_115] : memref<9216x768xf32, #tpu.memory_space<hbm>> -> memref<48x768xf32, #tpu.memory_space<hbm>>
    tpu.wait_dma2 semaphore(%arg10 : memref<!tpu.dma_semaphore, #tpu.memory_space<semaphore_mem>>) src(%arg7 : memref<48x768xf32, #tpu.memory_space<vmem>>) dst(%dma_wait3A_116 : memref<48x768xf32, #tpu.memory_space<hbm>>)
    %dma_wait3A_117 = arith.constant 0 : i32
    %dma_wait3A_118 = tpu.memref_slice %arg4[%add3A_104, %dma_wait3A_117] : memref<9216x768xf32, #tpu.memory_space<hbm>> -> memref<48x768xf32, #tpu.memory_space<hbm>>
    %dma_wait3A_119 = arith.constant 0 : i32
    %dma_wait3A_120 = tpu.memref_slice %arg4[%add3A_104, %dma_wait3A_119] : memref<9216x768xf32, #tpu.memory_space<hbm>> -> memref<48x768xf32, #tpu.memory_space<hbm>>
    tpu.wait_dma2 semaphore(%arg10 : memref<!tpu.dma_semaphore, #tpu.memory_space<semaphore_mem>>) src(%arg8 : memref<48x768xf32, #tpu.memory_space<vmem>>) dst(%dma_wait3A_120 : memref<48x768xf32, #tpu.memory_space<hbm>>)
    return
  }
}

</mosaic_0001>

<sc_bundles>
// kernel: kernel.3.cloned.1.call-start
scs
__scs_entry_jumppad:
0x0: {  	(pc) =	sbr.rel $0x88, $3  }
0x1: {  	(tag) =	ssettag $0x0;
	lr =	simm.s32 $0x1  }
0x2: {  	[smem:$0x3FA0] =	sst lr;
	_ =	strace $0xD0000000  }
0x3: {  	_ = 	snop  }
0x4: {  	_ = 	snop  }
0x5: {  	_ = 	snop  }
0x6: {  	_ = 	snop  }
0x7: {  	_ = 	snop  }
__scs_overlays_trampoline_lowered:
0x8: {  	[smem:$0x3FAF] =	sst s0  }
0x9: {  	[smem:$0x3FB0] =	sst s1  }
0xa: {  	[smem:$0x3FB1] =	sst s2  }
0xb: {  	[smem:$0x3FB2] =	sst s3  }
0xc: {  	[smem:$0x3FB3] =	sst s4  }
0xd: {  	[smem:$0x3FB4] =	sst s5  }
0xe: {  	[smem:$0x3FB5] =	sst s6  }
0xf: {  	[smem:$0x3FB6] =	sst s7  }
0x10: {  	[smem:$0x3FB7] =	sst s8  }
0x11: {  	[smem:$0x3FB8] =	sst s9;
	s0 =	simm.s32 @!p0 $0x0  }
0x12: {  	s1 =	sld [smem:$0x3F9E];
	s0 =	simm.s32 @p0 $0x1  }
0x13: {  	[smem:$0x3FB9] =	sst s0;
	s0 =	simm.s32 @!p1 $0x0  }
0x14: {  	s2 =	sld [smem:$0x3F9D];
	s0 =	simm.s32 @p1 $0x1  }
0x15: {  	[smem:$0x3FBA] =	sst s0;
	s0 =	simm.s32 @!p2 $0x0  }
0x16: {  	s3 =	sld [smem:$0x3FDB];
	s0 =	simm.s32 @p2 $0x1  }
0x17: {  	s4 =	simm.s32 $0x1BF5;
	[smem:$0x3FBC] =	sst s0  }
0x18: {  	s0 =	sld [smem:$0x3F9F];
	_ =	swait.ge [sflag:s4], $0x0  }
0x19: {  	s7 =	sld [smem:$0x3FA0]  }
0x1a: {  	s8 =	sadd.s32 $0xFFFFE003, lr  }
0x1b: {  	s9 =	sadd.s32 $0xFFFFFEF7, lr;
	s5 =	simm.s32 $0xFFFFFFFF;
	p2 =	slt.u32 s8, $0xFFFFF086  }
0x1c: {  	p1 =	slt.u32 s9, $0xF7A;
	s5 =	simm.s32 @!p2 $0x0  }
0x1d: {  	s5 =	simm.s32 @p1 $0x1;
	p0 =	seq.s32 s7, s2  }
0x1e: {  	s7 =	smul.u32 @!p0 $0xF7A, s2;
	p2 =	seq.s32 @!p0 s5, $0x0  }
0x1f: {  	s9 =	smul.u32 $0xF7A, s1;
	s8 =	simm.s32 @!p0 $0x1BF5;
	p2 =	por !p2, p0  }
0x20: {  	[sflag:s8] =	ssyncset.s32 @!p0 $0xFFFFF086;
	s6 =	sadd.s32 @!p0 s3, s7;
	s7 =	simm.s32 @!p0 $0x108  }
0x21: {  	s3 =	sadd.s32 s3, s9;
	s6 =	sadd.s32 @!p0 $0x88, s6;
	s7 =	simm.s32 @p2 $0x1082  }
0x22: {  	[simem:s7], [sflag:s8] =	dma.local @!p0 [hbm:s6], $0xF7A  }
0x23: {  	s9 =	sor.u32 $0xD0000000, s2;
	s6 =	simm.s32 $0x108;
	_ =	swait.ge @!p0 [sflag:s8], $0x0  }
0x24: {  	s3 =	sadd.s32 $0x88, s3;
	s6 =	simm.s32 @!p1 $0x1082;
	[sflag:s4] =	ssyncset.s32 $0xFFFFF086  }
0x25: {  	[simem:s6], [sflag:s4] =	dma.local [hbm:s3], $0xF7A  }
0x26: {  	[smem:$0x3FA0] =	sst s1;
	(tag) =	ssettag s2;
	_ =	strace s9  }
0x27: {  	s1 =	sld [smem:$0x3FB0]  }
0x28: {  	s2 =	sld [smem:$0x3FB1]  }
0x29: {  	s4 =	sld [smem:$0x3FB3]  }
0x2a: {  	p0 =	seq.s32 s5, $0x0;
	s5 =	sld [smem:$0x3FB4]  }
0x2b: {  	s6 =	sld [smem:$0x3FB5]  }
0x2c: {  	s7 =	sld [smem:$0x3FB6]  }
0x2d: {  	s3 =	simm.s32 $0x108;
	s8 =	sld [smem:$0x3FB7]  }
0x2e: {  	s3 =	simm.s32 @!p0 $0x1082;
	s9 =	sld [smem:$0x3FB8]  }
0x2f: {  	lr =	sadd.s32 s0, s3;
	s0 =	sld [smem:$0x3FAF]  }
0x30: {  	s3 =	sld [smem:$0x3FB2]  }
0x31: {  	[smem:$0x3FBB] =	sst s10  }
0x32: {  	s10 =	sld [smem:$0x3FB9];
	_ =	sdelay $0x3  }
0x33: {  	p0 =	seq.s32 s10, $0x1;
	s10 =	sld [smem:$0x3FBB];
	_ =	sdelay $0x3  }
0x34: {  	[smem:$0x3FBB] =	sst s10  }
0x35: {  	s10 =	sld [smem:$0x3FBA];
	_ =	sdelay $0x3  }
0x36: {  	p1 =	seq.s32 s10, $0x1;
	s10 =	sld [smem:$0x3FBB];
	_ =	sdelay $0x3  }
0x37: {  	[smem:$0x3FBB] =	sst s10  }
0x38: {  	s10 =	sld [smem:$0x3FBC]  }
0x39: {  	_ = 	snop;
	(pc) =	sbr.ind lr, $3  }
0x3a: {  	_ = 	snop  }
0x3b: {  	_ = 	snop  }
0x3c: {  	p2 =	seq.s32 s10, $0x1;
	s10 =	sld [smem:$0x3FBB]  }
0x3d: {  	_ =	shalt  }
0x3e: {  	_ =	shalt  }
0x3f: {  	_ =	shalt  }
0x40: {  	_ =	shalt  }
0x41: {  	_ =	shalt  }
0x42: {  	_ =	shalt  }
0x43: {  	_ =	shalt  }
0x44: {  	_ =	shalt  }
0x45: {  	_ =	shalt  }
0x46: {  	_ =	shalt  }
0x47: {  	_ =	shalt  }
0x48: {  	_ =	shalt  }
0x49: {  	_ =	shalt  }
0x4a: {  	_ =	shalt  }
0x4b: {  	_ =	shalt  }
0x4c: {  	_ =	shalt  }
0x4d: {  	_ =	shalt  }
0x4e: {  	_ =	shalt  }
0x4f: {  	_ =	shalt  }
0x50: {  	_ =	shalt  }
0x51: {  	_ =	shalt  }
0x52: {  	_ =	shalt  }
0x53: {  	_ =	shalt  }
0x54: {  	_ =	shalt  }
0x55: {  	_ =	shalt  }
0x56: {  	_ =	shalt  }
0x57: {  	_ =	shalt  }
0x58: {  	_ =	shalt  }
0x59: {  	_ =	shalt  }
0x5a: {  	_ =	shalt  }
0x5b: {  	_ =	shalt  }
0x5c: {  	_ =	shalt  }
0x5d: {  	_ =	shalt  }
0x5e: {  	_ =	shalt  }
0x5f: {  	_ =	shalt  }
0x60: {  	_ =	shalt  }
0x61: {  	_ =	shalt  }
0x62: {  	_ =	shalt  }
0x63: {  	_ =	shalt  }
0x64: {  	_ =	shalt  }
0x65: {  	_ =	shalt  }
0x66: {  	_ =	shalt  }
0x67: {  	_ =	shalt  }
0x68: {  	_ =	shalt  }
0x69: {  	_ =	shalt  }
0x6a: {  	_ =	shalt  }
0x6b: {  	_ =	shalt  }
0x6c: {  	_ =	shalt  }
0x6d: {  	_ =	shalt  }
0x6e: {  	_ =	shalt  }
0x6f: {  	_ =	shalt  }
0x70: {  	_ =	shalt  }
0x71: {  	_ =	shalt  }
0x72: {  	_ =	shalt  }
0x73: {  	_ =	shalt  }
0x74: {  	_ =	shalt  }
0x75: {  	_ =	shalt  }
0x76: {  	_ =	shalt  }
0x77: {  	_ =	shalt  }
0x78: {  	_ =	shalt  }
0x79: {  	_ =	shalt  }
0x7a: {  	_ =	shalt  }
0x7b: {  	_ =	shalt  }
0x7c: {  	_ =	shalt  }
0x7d: {  	_ =	shalt  }
0x7e: {  	_ =	shalt  }
0x7f: {  	_ =	shalt  }
0x80: {  	_ =	shalt  }
0x81: {  	_ =	shalt  }
0x82: {  	_ =	shalt  }
0x83: {  	_ =	shalt  }
0x84: {  	_ =	shalt  }
0x85: {  	_ =	shalt  }
0x86: {  	_ =	shalt  }
0x87: {  	_ =	shalt  }
.Lfunc_end0:
.L_simem_size_0:
called_computation_lowered:
.L_overlay_start_0:
0x88: {  	s2 =	sld [smem:$0x3FD9]  }
0x89: {  	s3 =	sld [smem:$0x3FFE];
	_ =	sdelay $0x1  }
0x8a: {  	s1 =	srdreg.scid  }
0x8b: {  	s0 =	sand.u32 $0x1, s1  }
0x8c: {  	s15 =	sshll.u32 s0, $0xA;
	s2 =	sadd.s32 s3, s2  }
0x8d: {  	s2 =	sadd.s32 s2, s15  }
0x8e: {  	[smem:$0x3FC7] =	sst s2  }
0x8f: {  	_ = 	snop  }
0x90: {  	s2 =	sld [smem:$0x3FD0];
	_ =	sdelay $0x2  }
0x91: {  	s4 =	simm.s32 $0xA;
	s5 =	simm.s32 $0x10;
	s16 =	sld [smem:$0x3FC9]  }
0x92: {  	[smem:s5], [sflag:s4] =	dma.local [hbm:s2], $0x1  }
0x93: {  	_ =	swait.eq [sflag:s4], $0x1  }
0x94: {  	[sflag:s4] =	ssyncset.done $0x0  }
0x95: {  	s17 =	sld [smem:$0x10];
	[sflag:s4] =	ssyncadd.s32 $0xFFFFFFFF  }
0x96: {  	s18 =	sld [smem:$0x12];
	(tm) =	ssettm $0x1  }
0x97: {  	s19 =	sld [smem:$0x3FFB];
	_ =	sdelay $0x3  }
0x98: {  	_ =	strace s19  }
0x99: {  	s5 =	sld [smem:$0x3FFC];
	_ =	sdelay $0x3  }
0x9a: {  	_ =	strace s5  }
0x9b: {  	s5 =	sld [smem:$0x3FFD];
	_ =	sdelay $0x3  }
0x9c: {  	_ =	strace s5  }
0x9d: {  	_ =	strace $0x8FFFFFFF  }
0x9e: {  	s20 =	sld [smem:$0x3FDB];
	_ =	sdelay $0x1  }
0x9f: {  	s6 =	simm.s32 $_scs_section_size  }
0xa0: {  	s7 =	simm.s32 $_size__tile_overlayer_lowered;
	s8 =	simm.s32 $_tile_overlayer_lowered  }
0xa1: {  	s23 =	simm.s32 $0x1BFF;
	s22 =	sshll.u32 s8, $0x1;
	s5 =	sadd.s32 s6, s20  }
0xa2: {  	s9 =	simm.s32 $0x0;
	s21 =	sshll.u32 s7, $0x1;
	s7 =	sadd.s32 s22, s5  }
0xa3: {  	[timem:s9], [sflag:s23] =	dma.local [hbm:s7], s21  }
0xa4: {  	_ =	swait.ge [sflag:s23], s21  }
0xa5: {  	s6 =	ssub.s32 $0x0, s21;
	[sflag:s23] =	ssyncset.done $0x0  }
0xa6: {  	[sflag:s23] =	ssyncadd.s32 s6;
	_ =	sdelay $0x1  }
0xa7: {  	s24 =	simm.s32 $0x1B8B  }
0xa8: {  	_ =	swait.ge [sflag:s24], $0x1  }
0xa9: {  	[sflag:s24] =	ssyncset.done $0x0  }
0xaa: {  	s25 =	simm.s32 $0x1B8E;
	[sflag:s24] =	ssyncadd.s32 $0xFFFFFFFF  }
0xab: {  	s26 =	simm.s32 $execute0_lowered;
	[smem:$0x3FD2] =	sst s25  }
0xac: {  	s6 =	sshll.u32 s26, $0x1;
	_ =	strace $0x80000046;
	[dreg:$0x1] =	wrdreg $0xFFFFFFFF  }
0xad: {  	s28 =	simm.s32 $_size_execute0_lowered;
	s5 =	sadd.s32 s5, s6;
	[dreg:$0x0] =	wrdreg $0x0  }
0xae: {  	s6 =	sshll.u32 s28, $0x1;
	[dreg:$0x2] =	wrdreg s5  }
0xaf: {  	[dreg:$0x3] =	wrdreg s6  }
0xb0: {  	[dreg:$0x4] =	wrdreg $0xC0  }
0xb1: {  	_ =	task [dreg:s9], $0x5FFFF  }
0xb2: {  	[dreg:$0x1] =	wrdreg $0xFFFFFFFF  }
0xb3: {  	[dreg:$0x0] =	wrdreg $0x60  }
0xb4: {  	[dreg:$0x2] =	wrdreg s16  }
0xb5: {  	[dreg:$0x3] =	wrdreg s18  }
0xb6: {  	[dreg:$0x4] =	wrdreg s17  }
0xb7: {  	[dreg:$0x5] =	wrdreg $0x9  }
0xb8: {  	_ =	task.clear_ibuf [dreg:s9], $0x6FFFF;
	_ =	strace $0x90000046  }
0xb9: {  	s29 =	simm.s32 $0x9;
	_ =	strace $0x80000048  }
0xba: {  	_ =	swait.ge [sflag:s29], $0x1  }
0xbb: {  	[sflag:s29] =	ssyncadd.s32 $0xFFFFFFFF  }
0xbc: {  	_ =	strace $0x90000048  }
0xbd: {  	_ =	sfence  }
0xbe: {  	s30 =	sld [smem:$0x0];
	_ =	sdelay $0x2  }
0xbf: {  	s31 =	sshll.u32 s1, $0xD;
	s1 =	sshrl.u32 s1, $0x2  }
0xc0: {  	s3 =	sand.u32 $0x4000, s31;
	s1 =	sadd.s32 s1, s30  }
0xc1: {  	s0 =	sor.u32 s3, s0;
	s1 =	sshll.u32 s1, $0x11  }
0xc2: {  	s0 =	sor.u32 s1, s0  }
0xc3: {  	s0 =	sadd.s32 $0x8F2B, s0  }
0xc4: {  	[sflag:s0] =	ssyncadd.remote.s32 $0x1  }
0xc5: {  	_ =	sfence.sel $0xFFFF  }
0xc6: {  	[dreg:$0x0] =	wrdreg $0xFFFFFFFF;
	(pc) =	sbr.abs _section_cstart, $3  }
0xc7: {  	[dreg:$0x1] =	wrdreg $0xFFFFFFFF  }
0xc8: {  	_ =	task.clear_ibuf [dreg:s9], $0x2FFFF;
	_ =	strace $0x9FFFFFFF  }
0xc9: {  	(tm) =	ssettm $0x7FFFFFFF  }
tec
execute0_lowered:
.L_overlay_start_1:
0x0: {  	(tag) =	ssettag $0x1  }
0x1: {  	s2 =	rddreg [dreg:$0x0]  }
0x2: {  	s0 =	srdreg.scid;
	s4 =	rddreg [dreg:$0x1]  }
0x3: {  	s1 =	stileid.u32;
	s5 =	rddreg [dreg:$0x2];
	s3 =	simm.s32 $0x0  }
0x4: {  	s19 =	simm.s32 $0x2;
	s28 =	simm.s32 $0x180;
	s29 =	simm.s32 $0x2980  }
0x5: {  	s30 =	simm.s32 $0x3180;
	s31 =	simm.s32 $0x3980;
	s8 =	simm.s32 $0x5180  }
0x6: {  	s10 =	simm.s32 $0x5980;
	s0 =	sand.u32 $0x1, s0;
	s1 =	sshll.u32 s1, $0x1  }
0x7: {  	s11 =	simm.s32 $0x6180;
	s12 =	simm.s32 $0x6980;
	s1 =	sor.u32 s0, s1  }
0x8: {  	s13 =	simm.s32 $0x7180;
	s14 =	simm.s32 $0x7980;
	s1 =	smul.u32 $0x120, s1  }
0x9: {  	s15 =	simm.s32 $0x8180;
	s16 =	simm.s32 $0x8980;
	s17 =	simm.s32 $0x9980  }
0xa: {  	s18 =	simm.s32 $0xA180;
	s9 =	simm.s32 $0xB180;
	s1 =	sshrl.u32 s1, $0x3  }
0xb: {  	[smem:$0x7FF] =	sst s3;
	s0 =	ssub.s32 $0x2, s0;
	s6 =	smul.u32 $0x300, s1  }
0xc: {  	_ =	strace $0x80000047;
	s23 =	sshrl.u32 s0, $0x1;
	s1 =	sadd.s32 s4, s1  }
0xd: {  	s0 =	ssub.s32 s0, s23;
	[dreg:$0x4] =	wrdreg s1;
	s20 =	sadd.s32 s5, s6  }
0xe: {  	s23 =	simm.s32 $0x9180;
	s21 =	sadd.s32 $0x1200, s20;
	[dreg:$0xa] =	wrdreg s20  }
0xf: {  	s7 =	smax.u32 s0, $0x1;
	s22 =	sadd.s32 $0x2400, s20;
	[dreg:$0x5] =	wrdreg s21  }
0x10: {  	s4 =	simm.s32 $0x4180;
	s24 =	sadd.s32 $0x3600, s20;
	[dreg:$0x6] =	wrdreg s22  }
0x11: {  	s5 =	sadd.s32 $0x100, s2;
	s25 =	sadd.s32 $0x4800, s20;
	[dreg:$0x7] =	wrdreg s24  }
0x12: {  	v2 =	vlaneseq.u32;
	s6 =	sadd.s32 $0x200, s2;
	s26 =	sadd.s32 $0x5A00, s20;
	[dreg:$0x8] =	wrdreg s25  }
0x13: {  	vm0 =	vmmov $0xffff;
	v1 =	vshrl.u32 v2, $0x3;
	[dreg:$0x9] =	wrdreg s26;
	s22 =	simm.s32 $0x1;
	s21 =	simm.s32 $0x980  }
0x14: {  	v0 =	vand.u32 $0x7, v2;
	v2 =	vor.u32 $0x8, v2;
	v1 =	vmul.u32 $0x8, v1;
	s24 =	simm.s32 $0x1180;
	s25 =	simm.s32 $0x1980;
	s26 =	simm.s32 $0x2180  }
.LBB2_1:
0x15: {  	s20 =	rddreg [dreg:$0x4];
	s0 =	simm.s32 $0x3  }
0x16: {  	[tilespmem:s3], [sflag:$0x3] =	stream.linear.gather [hbm4b:s20+s3], $0x120, $0x38;
	[tilespmem:$0x1B180] =	vst v63  }
0x17: {  	_ =	swait.ge [sflag:s0], $0x120  }
0x18: {  	[sflag:s0] =	ssyncset.done $0x0  }
0x19: {  	[sflag:s0] =	ssyncadd.s32 $0xFFFFFEE0  }
0x1a: {  	v3 =	vld [tilespmem:$0x0];
	_ =	sdelay $0x4  }
0x1b: {  	v4 =	vshrl.u32 v3, $0x3  }
0x1c: {  	v4 =	vmul.u32 $0x30, v4  }
0x1d: {  	v3 =	vand.u32 $0x7, v3  }
0x1e: {  	v3 =	vor.u32 v3, v4  }
0x1f: {  	v4 =	vperm.xlane v3, v0;
	_ =	sdelay $0x1  }
0x20: {  	v4 =	vadd.s32 v1, v4;
	_ =	sdelay $0x3  }
0x21: {  	v3 =	vperm.xlane v3, v2  }
0x22: {  	[tilespmem:s28], [sflag:$0x1] =	stream.indirect_vreg.gather [hbm4b:s2+s3], $0x80, v4, vm0, $0xb8;
	[tilespmem:$0x1B180] =	vst v63  }
0x23: {  	v3 =	vadd.s32 v1, v3  }
0x24: {  	[tilespmem:s21], [sflag:$0x1] =	stream.indirect_vreg.gather [hbm4b:s5+s3], $0x80, v4, vm0, $0xb8;
	[tilespmem:$0x1B180] =	vst v63  }
0x25: {  	_ = 	snop  }
0x26: {  	[tilespmem:s24], [sflag:$0x1] =	stream.indirect_vreg.gather [hbm4b:s6+s3], $0x80, v4, vm0, $0xb8;
	[tilespmem:$0x1B180] =	vst v63  }
0x27: {  	_ = 	snop  }
0x28: {  	[tilespmem:s25], [sflag:$0x1] =	stream.indirect_vreg.gather [hbm4b:s2+s3], $0x80, v3, vm0, $0xb8;
	[tilespmem:$0x1B180] =	vst v63  }
0x29: {  	_ = 	snop  }
0x2a: {  	[tilespmem:s26], [sflag:$0x1] =	stream.indirect_vreg.gather [hbm4b:s5+s3], $0x80, v3, vm0, $0xb8;
	[tilespmem:$0x1B180] =	vst v63  }
0x2b: {  	_ = 	snop  }
0x2c: {  	[tilespmem:s29], [sflag:$0x1] =	stream.indirect_vreg.gather [hbm4b:s6+s3], $0x80, v3, vm0, $0xb8;
	[tilespmem:$0x1B180] =	vst v63  }
0x2d: {  	v3 =	vld [tilespmem:$0x10];
	_ =	sdelay $0x4  }
0x2e: {  	v47 =	vshrl.u32 v3, $0x3  }
0x2f: {  	v4 =	vmul.u32 $0x30, v47  }
0x30: {  	v3 =	vand.u32 $0x7, v3  }
0x31: {  	v3 =	vor.u32 v3, v4  }
0x32: {  	v4 =	vperm.xlane v3, v0;
	_ =	sdelay $0x1  }
0x33: {  	v4 =	vadd.s32 v1, v4;
	_ =	sdelay $0x3  }
0x34: {  	v3 =	vperm.xlane v3, v2  }
0x35: {  	[tilespmem:s30], [sflag:$0x1] =	stream.indirect_vreg.gather [hbm4b:s2+s3], $0x80, v4, vm0, $0xb8;
	[tilespmem:$0x1B180] =	vst v63  }
0x36: {  	v3 =	vadd.s32 v1, v3  }
0x37: {  	[tilespmem:s31], [sflag:$0x1] =	stream.indirect_vreg.gather [hbm4b:s5+s3], $0x80, v4, vm0, $0xb8;
	[tilespmem:$0x1B180] =	vst v63  }
0x38: {  	_ = 	snop  }
0x39: {  	[tilespmem:s4], [sflag:$0x1] =	stream.indirect_vreg.gather [hbm4b:s6+s3], $0x80, v4, vm0, $0xb8;
	[tilespmem:$0x1B180] =	vst v63  }
0x3a: {  	s1 =	simm.s32 $0x4980  }
0x3b: {  	[tilespmem:s1], [sflag:$0x1] =	stream.indirect_vreg.gather [hbm4b:s2+s3], $0x80, v3, vm0, $0xb8;
	[tilespmem:$0x1B180] =	vst v63  }
0x3c: {  	_ = 	snop  }
0x3d: {  	[tilespmem:s8], [sflag:$0x1] =	stream.indirect_vreg.gather [hbm4b:s5+s3], $0x80, v3, vm0, $0xb8;
	[tilespmem:$0x1B180] =	vst v63  }
0x3e: {  	_ = 	snop  }
0x3f: {  	[tilespmem:s10], [sflag:$0x1] =	stream.indirect_vreg.gather [hbm4b:s6+s3], $0x80, v3, vm0, $0xb8;
	[tilespmem:$0x1B180] =	vst v63  }
0x40: {  	v3 =	vld [tilespmem:$0x20];
	_ =	sdelay $0x4  }
0x41: {  	v48 =	vshrl.u32 v3, $0x3  }
0x42: {  	v4 =	vmul.u32 $0x30, v48  }
0x43: {  	v3 =	vand.u32 $0x7, v3  }
0x44: {  	v3 =	vor.u32 v3, v4  }
0x45: {  	v4 =	vperm.xlane v3, v0;
	_ =	sdelay $0x1  }
0x46: {  	v4 =	vadd.s32 v1, v4;
	_ =	sdelay $0x3  }
0x47: {  	v3 =	vperm.xlane v3, v2  }
0x48: {  	[tilespmem:s11], [sflag:$0x1] =	stream.indirect_vreg.gather [hbm4b:s2+s3], $0x80, v4, vm0, $0xb8;
	[tilespmem:$0x1B180] =	vst v63  }
0x49: {  	v3 =	vadd.s32 v1, v3  }
0x4a: {  	[tilespmem:s12], [sflag:$0x1] =	stream.indirect_vreg.gather [hbm4b:s5+s3], $0x80, v4, vm0, $0xb8;
	[tilespmem:$0x1B180] =	vst v63  }
0x4b: {  	_ = 	snop  }
0x4c: {  	[tilespmem:s13], [sflag:$0x1] =	stream.indirect_vreg.gather [hbm4b:s6+s3], $0x80, v4, vm0, $0xb8;
	[tilespmem:$0x1B180] =	vst v63  }
0x4d: {  	_ = 	snop  }
0x4e: {  	[tilespmem:s14], [sflag:$0x1] =	stream.indirect_vreg.gather [hbm4b:s2+s3], $0x80, v3, vm0, $0xb8;
	[tilespmem:$0x1B180] =	vst v63  }
0x4f: {  	_ = 	snop  }
0x50: {  	[tilespmem:s15], [sflag:$0x1] =	stream.indirect_vreg.gather [hbm4b:s5+s3], $0x80, v3, vm0, $0xb8;
	[tilespmem:$0x1B180] =	vst v63  }
0x51: {  	_ = 	snop  }
0x52: {  	[tilespmem:s16], [sflag:$0x1] =	stream.indirect_vreg.gather [hbm4b:s6+s3], $0x80, v3, vm0, $0xb8;
	[tilespmem:$0x1B180] =	vst v63  }
0x53: {  	v3 =	vld [tilespmem:$0x30];
	_ =	sdelay $0x4  }
0x54: {  	v49 =	vshrl.u32 v3, $0x3  }
0x55: {  	v4 =	vmul.u32 $0x30, v49  }
0x56: {  	v3 =	vand.u32 $0x7, v3  }
0x57: {  	v3 =	vor.u32 v3, v4  }
0x58: {  	v4 =	vperm.xlane v3, v0;
	_ =	sdelay $0x1  }
0x59: {  	v4 =	vadd.s32 v1, v4;
	_ =	sdelay $0x3  }
0x5a: {  	v3 =	vperm.xlane v3, v2  }
0x5b: {  	[tilespmem:s23], [sflag:$0x1] =	stream.indirect_vreg.gather [hbm4b:s2+s3], $0x80, v4, vm0, $0xb8;
	[tilespmem:$0x1B180] =	vst v63  }
0x5c: {  	v3 =	vadd.s32 v1, v3  }
0x5d: {  	[tilespmem:s17], [sflag:$0x1] =	stream.indirect_vreg.gather [hbm4b:s5+s3], $0x80, v4, vm0, $0xb8;
	[tilespmem:$0x1B180] =	vst v63  }
0x5e: {  	_ = 	snop  }
0x5f: {  	[tilespmem:s18], [sflag:$0x1] =	stream.indirect_vreg.gather [hbm4b:s6+s3], $0x80, v4, vm0, $0xb8;
	[tilespmem:$0x1B180] =	vst v63  }
0x60: {  	s20 =	simm.s32 $0xA980  }
0x61: {  	[tilespmem:s20], [sflag:$0x1] =	stream.indirect_vreg.gather [hbm4b:s2+s3], $0x80, v3, vm0, $0xb8;
	[tilespmem:$0x1B180] =	vst v63  }
0x62: {  	_ = 	snop  }
0x63: {  	[tilespmem:s9], [sflag:$0x1] =	stream.indirect_vreg.gather [hbm4b:s5+s3], $0x80, v3, vm0, $0xb8;
	[tilespmem:$0x1B180] =	vst v63  }
0x64: {  	s20 =	simm.s32 $0xB980  }
0x65: {  	[tilespmem:s20], [sflag:$0x1] =	stream.indirect_vreg.gather [hbm4b:s6+s3], $0x80, v3, vm0, $0xb8;
	[tilespmem:$0x1B180] =	vst v63  }
0x66: {  	v3 =	vld [tilespmem:$0x40];
	_ =	sdelay $0x4  }
0x67: {  	v50 =	vshrl.u32 v3, $0x3  }
0x68: {  	v4 =	vmul.u32 $0x30, v50  }
0x69: {  	v3 =	vand.u32 $0x7, v3  }
0x6a: {  	v3 =	vor.u32 v3, v4  }
0x6b: {  	v4 =	vperm.xlane v3, v0;
	_ =	sdelay $0x1  }
0x6c: {  	v4 =	vadd.s32 v1, v4;
	_ =	sdelay $0x3  }
0x6d: {  	s20 =	simm.s32 $0xC180;
	v3 =	vperm.xlane v3, v2  }
0x6e: {  	[tilespmem:s20], [sflag:$0x1] =	stream.indirect_vreg.gather [hbm4b:s2+s3], $0x80, v4, vm0, $0xb8;
	[tilespmem:$0x1B180] =	vst v63  }
0x6f: {  	v3 =	vadd.s32 v1, v3;
	s20 =	simm.s32 $0xC980  }
0x70: {  	[tilespmem:s20], [sflag:$0x1] =	stream.indirect_vreg.gather [hbm4b:s5+s3], $0x80, v4, vm0, $0xb8;
	[tilespmem:$0x1B180] =	vst v63  }
0x71: {  	s20 =	simm.s32 $0xD180  }
0x72: {  	[tilespmem:s20], [sflag:$0x1] =	stream.indirect_vreg.gather [hbm4b:s6+s3], $0x80, v4, vm0, $0xb8;
	[tilespmem:$0x1B180] =	vst v63  }
0x73: {  	s20 =	simm.s32 $0xD980  }
0x74: {  	[tilespmem:s20], [sflag:$0x1] =	stream.indirect_vreg.gather [hbm4b:s2+s3], $0x80, v3, vm0, $0xb8;
	[tilespmem:$0x1B180] =	vst v63  }
0x75: {  	s20 =	simm.s32 $0xE180  }
0x76: {  	[tilespmem:s20], [sflag:$0x1] =	stream.indirect_vreg.gather [hbm4b:s5+s3], $0x80, v3, vm0, $0xb8;
	[tilespmem:$0x1B180] =	vst v63  }
0x77: {  	s20 =	simm.s32 $0xE980  }
0x78: {  	[tilespmem:s20], [sflag:$0x1] =	stream.indirect_vreg.gather [hbm4b:s6+s3], $0x80, v3, vm0, $0xb8;
	[tilespmem:$0x1B180] =	vst v63  }
0x79: {  	v3 =	vld [tilespmem:$0x50];
	_ =	sdelay $0x4  }
0x7a: {  	v51 =	vshrl.u32 v3, $0x3  }
0x7b: {  	v4 =	vmul.u32 $0x30, v51  }
0x7c: {  	v3 =	vand.u32 $0x7, v3  }
0x7d: {  	v3 =	vor.u32 v3, v4  }
0x7e: {  	v4 =	vperm.xlane v3, v0;
	_ =	sdelay $0x1  }
0x7f: {  	v4 =	vadd.s32 v1, v4;
	_ =	sdelay $0x3  }
0x80: {  	s20 =	simm.s32 $0xF180;
	v3 =	vperm.xlane v3, v2  }
0x81: {  	[tilespmem:s20], [sflag:$0x1] =	stream.indirect_vreg.gather [hbm4b:s2+s3], $0x80, v4, vm0, $0xb8;
	[tilespmem:$0x1B180] =	vst v63  }
0x82: {  	v3 =	vadd.s32 v1, v3;
	s20 =	simm.s32 $0xF980  }
0x83: {  	[tilespmem:s20], [sflag:$0x1] =	stream.indirect_vreg.gather [hbm4b:s5+s3], $0x80, v4, vm0, $0xb8;
	[tilespmem:$0x1B180] =	vst v63  }
0x84: {  	s20 =	simm.s32 $0x10180  }
0x85: {  	[tilespmem:s20], [sflag:$0x1] =	stream.indirect_vreg.gather [hbm4b:s6+s3], $0x80, v4, vm0, $0xb8;
	[tilespmem:$0x1B180] =	vst v63  }
0x86: {  	s20 =	simm.s32 $0x10980  }
0x87: {  	[tilespmem:s20], [sflag:$0x1] =	stream.indirect_vreg.gather [hbm4b:s2+s3], $0x80, v3, vm0, $0xb8;
	[tilespmem:$0x1B180] =	vst v63  }
0x88: {  	s20 =	simm.s32 $0x11180  }
0x89: {  	[tilespmem:s20], [sflag:$0x1] =	stream.indirect_vreg.gather [hbm4b:s5+s3], $0x80, v3, vm0, $0xb8;
	[tilespmem:$0x1B180] =	vst v63  }
0x8a: {  	s20 =	simm.s32 $0x11980  }
0x8b: {  	[tilespmem:s20], [sflag:$0x1] =	stream.indirect_vreg.gather [hbm4b:s6+s3], $0x80, v3, vm0, $0xb8;
	[tilespmem:$0x1B180] =	vst v63  }
0x8c: {  	_ =	swait.ge [sflag:s22], $0x9000  }
0x8d: {  	[sflag:s22] =	ssyncset.done $0x0  }
0x8e: {  	s0 =	rddreg [dreg:$0xa];
	[sflag:s22] =	ssyncadd.s32 $0xFFFF7000  }
0x8f: {  	[hbm4b:s0+s3] =	stream.linear.scatter [tilespmem:s28], [sflag:$0x2], $0x9000, $0x38;
	[tilespmem:$0x1B180] =	vst v63  }
0x90: {  	v3 =	vld [tilespmem:$0x60];
	_ =	sdelay $0x4  }
0x91: {  	v52 =	vshrl.u32 v3, $0x3  }
0x92: {  	v4 =	vmul.u32 $0x30, v52  }
0x93: {  	v3 =	vand.u32 $0x7, v3  }
0x94: {  	v3 =	vor.u32 v3, v4  }
0x95: {  	v4 =	vperm.xlane v3, v0;
	_ =	sdelay $0x1  }
0x96: {  	v4 =	vadd.s32 v1, v4;
	_ =	sdelay $0x3  }
0x97: {  	s0 =	simm.s32 $0x12180;
	v3 =	vperm.xlane v3, v2  }
0x98: {  	[tilespmem:s0], [sflag:$0x1] =	stream.indirect_vreg.gather [hbm4b:s2+s3], $0x80, v4, vm0, $0xb8;
	[tilespmem:$0x1B180] =	vst v63  }
0x99: {  	s20 =	simm.s32 $0x12980;
	v3 =	vadd.s32 v1, v3  }
0x9a: {  	[tilespmem:s20], [sflag:$0x1] =	stream.indirect_vreg.gather [hbm4b:s5+s3], $0x80, v4, vm0, $0xb8;
	[tilespmem:$0x1B180] =	vst v63  }
0x9b: {  	s20 =	simm.s32 $0x13180  }
0x9c: {  	[tilespmem:s20], [sflag:$0x1] =	stream.indirect_vreg.gather [hbm4b:s6+s3], $0x80, v4, vm0, $0xb8;
	[tilespmem:$0x1B180] =	vst v63  }
0x9d: {  	s20 =	simm.s32 $0x13980  }
0x9e: {  	[tilespmem:s20], [sflag:$0x1] =	stream.indirect_vreg.gather [hbm4b:s2+s3], $0x80, v3, vm0, $0xb8;
	[tilespmem:$0x1B180] =	vst v63  }
0x9f: {  	s20 =	simm.s32 $0x14180  }
0xa0: {  	[tilespmem:s20], [sflag:$0x1] =	stream.indirect_vreg.gather [hbm4b:s5+s3], $0x80, v3, vm0, $0xb8;
	[tilespmem:$0x1B180] =	vst v63  }
0xa1: {  	s20 =	simm.s32 $0x14980  }
0xa2: {  	[tilespmem:s20], [sflag:$0x1] =	stream.indirect_vreg.gather [hbm4b:s6+s3], $0x80, v3, vm0, $0xb8;
	[tilespmem:$0x1B180] =	vst v63  }
0xa3: {  	v3 =	vld [tilespmem:$0x70];
	_ =	sdelay $0x4  }
0xa4: {  	v53 =	vshrl.u32 v3, $0x3  }
0xa5: {  	v4 =	vmul.u32 $0x30, v53  }
0xa6: {  	v3 =	vand.u32 $0x7, v3  }
0xa7: {  	v3 =	vor.u32 v3, v4  }
0xa8: {  	v4 =	vperm.xlane v3, v0;
	_ =	sdelay $0x1  }
0xa9: {  	v4 =	vadd.s32 v1, v4;
	_ =	sdelay $0x3  }
0xaa: {  	s20 =	simm.s32 $0x15180;
	v3 =	vperm.xlane v3, v2  }
0xab: {  	[tilespmem:s20], [sflag:$0x1] =	stream.indirect_vreg.gather [hbm4b:s2+s3], $0x80, v4, vm0, $0xb8;
	[tilespmem:$0x1B180] =	vst v63  }
0xac: {  	v3 =	vadd.s32 v1, v3;
	s20 =	simm.s32 $0x15980  }
0xad: {  	[tilespmem:s20], [sflag:$0x1] =	stream.indirect_vreg.gather [hbm4b:s5+s3], $0x80, v4, vm0, $0xb8;
	[tilespmem:$0x1B180] =	vst v63  }
0xae: {  	s20 =	simm.s32 $0x16180  }
0xaf: {  	[tilespmem:s20], [sflag:$0x1] =	stream.indirect_vreg.gather [hbm4b:s6+s3], $0x80, v4, vm0, $0xb8;
	[tilespmem:$0x1B180] =	vst v63  }
0xb0: {  	s20 =	simm.s32 $0x16980  }
0xb1: {  	[tilespmem:s20], [sflag:$0x1] =	stream.indirect_vreg.gather [hbm4b:s2+s3], $0x80, v3, vm0, $0xb8;
	[tilespmem:$0x1B180] =	vst v63  }
0xb2: {  	s20 =	simm.s32 $0x17180  }
0xb3: {  	[tilespmem:s20], [sflag:$0x1] =	stream.indirect_vreg.gather [hbm4b:s5+s3], $0x80, v3, vm0, $0xb8;
	[tilespmem:$0x1B180] =	vst v63  }
0xb4: {  	s20 =	simm.s32 $0x17980  }
0xb5: {  	[tilespmem:s20], [sflag:$0x1] =	stream.indirect_vreg.gather [hbm4b:s6+s3], $0x80, v3, vm0, $0xb8;
	[tilespmem:$0x1B180] =	vst v63  }
0xb6: {  	v3 =	vld [tilespmem:$0x80];
	_ =	sdelay $0x4  }
0xb7: {  	v54 =	vshrl.u32 v3, $0x3  }
0xb8: {  	v4 =	vmul.u32 $0x30, v54  }
0xb9: {  	v3 =	vand.u32 $0x7, v3  }
0xba: {  	v3 =	vor.u32 v3, v4  }
0xbb: {  	v4 =	vperm.xlane v3, v0;
	_ =	sdelay $0x1  }
0xbc: {  	v4 =	vadd.s32 v1, v4;
	_ =	sdelay $0x3  }
0xbd: {  	s20 =	simm.s32 $0x18180;
	v3 =	vperm.xlane v3, v2  }
0xbe: {  	[tilespmem:s20], [sflag:$0x1] =	stream.indirect_vreg.gather [hbm4b:s2+s3], $0x80, v4, vm0, $0xb8;
	[tilespmem:$0x1B180] =	vst v63  }
0xbf: {  	v3 =	vadd.s32 v1, v3;
	s20 =	simm.s32 $0x18980  }
0xc0: {  	[tilespmem:s20], [sflag:$0x1] =	stream.indirect_vreg.gather [hbm4b:s5+s3], $0x80, v4, vm0, $0xb8;
	[tilespmem:$0x1B180] =	vst v63  }
0xc1: {  	s20 =	simm.s32 $0x19180  }
0xc2: {  	[tilespmem:s20], [sflag:$0x1] =	stream.indirect_vreg.gather [hbm4b:s6+s3], $0x80, v4, vm0, $0xb8;
	[tilespmem:$0x1B180] =	vst v63  }
0xc3: {  	s20 =	simm.s32 $0x19980  }
0xc4: {  	[tilespmem:s20], [sflag:$0x1] =	stream.indirect_vreg.gather [hbm4b:s2+s3], $0x80, v3, vm0, $0xb8;
	[tilespmem:$0x1B180] =	vst v63  }
0xc5: {  	s20 =	simm.s32 $0x1A180  }
0xc6: {  	[tilespmem:s20], [sflag:$0x1] =	stream.indirect_vreg.gather [hbm4b:s5+s3], $0x80, v3, vm0, $0xb8;
	[tilespmem:$0x1B180] =	vst v63  }
0xc7: {  	s20 =	simm.s32 $0x1A980  }
0xc8: {  	[tilespmem:s20], [sflag:$0x1] =	stream.indirect_vreg.gather [hbm4b:s6+s3], $0x80, v3, vm0, $0xb8;
	[tilespmem:$0x1B180] =	vst v63  }
0xc9: {  	_ =	swait.ge [sflag:s22], $0x9000  }
0xca: {  	[sflag:s22] =	ssyncset.done $0x0  }
0xcb: {  	s20 =	rddreg [dreg:$0x5];
	[sflag:s22] =	ssyncadd.s32 $0xFFFF7000  }
0xcc: {  	[hbm4b:s20+s3] =	stream.linear.scatter [tilespmem:s23], [sflag:$0x2], $0x9000, $0x38;
	[tilespmem:$0x1B180] =	vst v63  }
0xcd: {  	_ =	swait.ge [sflag:s19], $0x9000  }
0xce: {  	[sflag:s19] =	ssyncset.done $0x0  }
0xcf: {  	[sflag:s19] =	ssyncadd.s32 $0xFFFF7000  }
0xd0: {  	v3 =	vld [tilespmem:$0x90];
	_ =	sdelay $0x4  }
0xd1: {  	v55 =	vshrl.u32 v3, $0x3  }
0xd2: {  	v4 =	vmul.u32 $0x30, v55  }
0xd3: {  	v3 =	vand.u32 $0x7, v3  }
0xd4: {  	v3 =	vor.u32 v3, v4  }
0xd5: {  	v4 =	vperm.xlane v3, v0;
	_ =	sdelay $0x1  }
0xd6: {  	v4 =	vadd.s32 v1, v4;
	_ =	sdelay $0x3  }
0xd7: {  	v3 =	vperm.xlane v3, v2  }
0xd8: {  	[tilespmem:s28], [sflag:$0x1] =	stream.indirect_vreg.gather [hbm4b:s2+s3], $0x80, v4, vm0, $0xb8;
	[tilespmem:$0x1B180] =	vst v63  }
0xd9: {  	v3 =	vadd.s32 v1, v3  }
0xda: {  	[tilespmem:s21], [sflag:$0x1] =	stream.indirect_vreg.gather [hbm4b:s5+s3], $0x80, v4, vm0, $0xb8;
	[tilespmem:$0x1B180] =	vst v63  }
0xdb: {  	_ = 	snop  }
0xdc: {  	[tilespmem:s24], [sflag:$0x1] =	stream.indirect_vreg.gather [hbm4b:s6+s3], $0x80, v4, vm0, $0xb8;
	[tilespmem:$0x1B180] =	vst v63  }
0xdd: {  	_ = 	snop  }
0xde: {  	[tilespmem:s25], [sflag:$0x1] =	stream.indirect_vreg.gather [hbm4b:s2+s3], $0x80, v3, vm0, $0xb8;
	[tilespmem:$0x1B180] =	vst v63  }
0xdf: {  	_ = 	snop  }
0xe0: {  	[tilespmem:s26], [sflag:$0x1] =	stream.indirect_vreg.gather [hbm4b:s5+s3], $0x80, v3, vm0, $0xb8;
	[tilespmem:$0x1B180] =	vst v63  }
0xe1: {  	_ = 	snop  }
0xe2: {  	[tilespmem:s29], [sflag:$0x1] =	stream.indirect_vreg.gather [hbm4b:s6+s3], $0x80, v3, vm0, $0xb8;
	[tilespmem:$0x1B180] =	vst v63  }
0xe3: {  	v3 =	vld [tilespmem:$0xA0];
	_ =	sdelay $0x4  }
0xe4: {  	v56 =	vshrl.u32 v3, $0x3  }
0xe5: {  	v4 =	vmul.u32 $0x30, v56  }
0xe6: {  	v3 =	vand.u32 $0x7, v3  }
0xe7: {  	v3 =	vor.u32 v3, v4  }
0xe8: {  	v4 =	vperm.xlane v3, v0;
	_ =	sdelay $0x1  }
0xe9: {  	v4 =	vadd.s32 v1, v4;
	_ =	sdelay $0x3  }
0xea: {  	v3 =	vperm.xlane v3, v2  }
0xeb: {  	[tilespmem:s30], [sflag:$0x1] =	stream.indirect_vreg.gather [hbm4b:s2+s3], $0x80, v4, vm0, $0xb8;
	[tilespmem:$0x1B180] =	vst v63  }
0xec: {  	v3 =	vadd.s32 v1, v3  }
0xed: {  	[tilespmem:s31], [sflag:$0x1] =	stream.indirect_vreg.gather [hbm4b:s5+s3], $0x80, v4, vm0, $0xb8;
	[tilespmem:$0x1B180] =	vst v63  }
0xee: {  	_ = 	snop  }
0xef: {  	[tilespmem:s4], [sflag:$0x1] =	stream.indirect_vreg.gather [hbm4b:s6+s3], $0x80, v4, vm0, $0xb8;
	[tilespmem:$0x1B180] =	vst v63  }
0xf0: {  	_ = 	snop  }
0xf1: {  	[tilespmem:s1], [sflag:$0x1] =	stream.indirect_vreg.gather [hbm4b:s2+s3], $0x80, v3, vm0, $0xb8;
	[tilespmem:$0x1B180] =	vst v63  }
0xf2: {  	_ = 	snop  }
0xf3: {  	[tilespmem:s8], [sflag:$0x1] =	stream.indirect_vreg.gather [hbm4b:s5+s3], $0x80, v3, vm0, $0xb8;
	[tilespmem:$0x1B180] =	vst v63  }
0xf4: {  	_ = 	snop  }
0xf5: {  	[tilespmem:s10], [sflag:$0x1] =	stream.indirect_vreg.gather [hbm4b:s6+s3], $0x80, v3, vm0, $0xb8;
	[tilespmem:$0x1B180] =	vst v63  }
0xf6: {  	v3 =	vld [tilespmem:$0xB0];
	_ =	sdelay $0x4  }
0xf7: {  	v57 =	vshrl.u32 v3, $0x3  }
0xf8: {  	v4 =	vmul.u32 $0x30, v57  }
0xf9: {  	v3 =	vand.u32 $0x7, v3  }
0xfa: {  	v3 =	vor.u32 v3, v4  }
0xfb: {  	v4 =	vperm.xlane v3, v0;
	_ =	sdelay $0x1  }
0xfc: {  	v4 =	vadd.s32 v1, v4;
	_ =	sdelay $0x3  }
0xfd: {  	v3 =	vperm.xlane v3, v2  }
0xfe: {  	[tilespmem:s11], [sflag:$0x1] =	stream.indirect_vreg.gather [hbm4b:s2+s3], $0x80, v4, vm0, $0xb8;
	[tilespmem:$0x1B180] =	vst v63  }
0xff: {  	v3 =	vadd.s32 v1, v3  }
0x100: {  	[tilespmem:s12], [sflag:$0x1] =	stream.indirect_vreg.gather [hbm4b:s5+s3], $0x80, v4, vm0, $0xb8;
	[tilespmem:$0x1B180] =	vst v63  }
0x101: {  	_ = 	snop  }
0x102: {  	[tilespmem:s13], [sflag:$0x1] =	stream.indirect_vreg.gather [hbm4b:s6+s3], $0x80, v4, vm0, $0xb8;
	[tilespmem:$0x1B180] =	vst v63  }
0x103: {  	_ = 	snop  }
0x104: {  	[tilespmem:s14], [sflag:$0x1] =	stream.indirect_vreg.gather [hbm4b:s2+s3], $0x80, v3, vm0, $0xb8;
	[tilespmem:$0x1B180] =	vst v63  }
0x105: {  	_ = 	snop  }
0x106: {  	[tilespmem:s15], [sflag:$0x1] =	stream.indirect_vreg.gather [hbm4b:s5+s3], $0x80, v3, vm0, $0xb8;
	[tilespmem:$0x1B180] =	vst v63  }
0x107: {  	_ = 	snop  }
0x108: {  	[tilespmem:s16], [sflag:$0x1] =	stream.indirect_vreg.gather [hbm4b:s6+s3], $0x80, v3, vm0, $0xb8;
	[tilespmem:$0x1B180] =	vst v63  }
0x109: {  	_ =	swait.ge [sflag:s22], $0x9000  }
0x10a: {  	[sflag:s22] =	ssyncset.done $0x0  }
0x10b: {  	s1 =	rddreg [dreg:$0x6];
	[sflag:s22] =	ssyncadd.s32 $0xFFFF7000  }
0x10c: {  	[hbm4b:s1+s3] =	stream.linear.scatter [tilespmem:s0], [sflag:$0x2], $0x9000, $0x38;
	[tilespmem:$0x1B180] =	vst v63  }
0x10d: {  	_ =	swait.ge [sflag:s19], $0x9000  }
0x10e: {  	[sflag:s19] =	ssyncset.done $0x0  }
0x10f: {  	[sflag:s19] =	ssyncadd.s32 $0xFFFF7000  }
0x110: {  	v3 =	vld [tilespmem:$0xC0];
	_ =	sdelay $0x4  }
0x111: {  	v58 =	vshrl.u32 v3, $0x3  }
0x112: {  	v4 =	vmul.u32 $0x30, v58  }
0x113: {  	v3 =	vand.u32 $0x7, v3  }
0x114: {  	v3 =	vor.u32 v3, v4  }
0x115: {  	v4 =	vperm.xlane v3, v0;
	_ =	sdelay $0x1  }
0x116: {  	v4 =	vadd.s32 v1, v4;
	_ =	sdelay $0x3  }
0x117: {  	v3 =	vperm.xlane v3, v2  }
0x118: {  	[tilespmem:s23], [sflag:$0x1] =	stream.indirect_vreg.gather [hbm4b:s2+s3], $0x80, v4, vm0, $0xb8;
	[tilespmem:$0x1B180] =	vst v63  }
0x119: {  	v3 =	vadd.s32 v1, v3  }
0x11a: {  	[tilespmem:s17], [sflag:$0x1] =	stream.indirect_vreg.gather [hbm4b:s5+s3], $0x80, v4, vm0, $0xb8;
	[tilespmem:$0x1B180] =	vst v63  }
0x11b: {  	_ = 	snop  }
0x11c: {  	[tilespmem:s18], [sflag:$0x1] =	stream.indirect_vreg.gather [hbm4b:s6+s3], $0x80, v4, vm0, $0xb8;
	[tilespmem:$0x1B180] =	vst v63  }
0x11d: {  	s20 =	simm.s32 $0xA980  }
0x11e: {  	[tilespmem:s20], [sflag:$0x1] =	stream.indirect_vreg.gather [hbm4b:s2+s3], $0x80, v3, vm0, $0xb8;
	[tilespmem:$0x1B180] =	vst v63  }
0x11f: {  	_ = 	snop  }
0x120: {  	[tilespmem:s9], [sflag:$0x1] =	stream.indirect_vreg.gather [hbm4b:s5+s3], $0x80, v3, vm0, $0xb8;
	[tilespmem:$0x1B180] =	vst v63  }
0x121: {  	s20 =	simm.s32 $0xB980  }
0x122: {  	[tilespmem:s20], [sflag:$0x1] =	stream.indirect_vreg.gather [hbm4b:s6+s3], $0x80, v3, vm0, $0xb8;
	[tilespmem:$0x1B180] =	vst v63  }
0x123: {  	v3 =	vld [tilespmem:$0xD0];
	_ =	sdelay $0x4  }
0x124: {  	v59 =	vshrl.u32 v3, $0x3  }
0x125: {  	v4 =	vmul.u32 $0x30, v59  }
0x126: {  	v3 =	vand.u32 $0x7, v3  }
0x127: {  	v3 =	vor.u32 v3, v4  }
0x128: {  	v4 =	vperm.xlane v3, v0;
	_ =	sdelay $0x1  }
0x129: {  	v4 =	vadd.s32 v1, v4;
	_ =	sdelay $0x3  }
0x12a: {  	s20 =	simm.s32 $0xC180;
	v3 =	vperm.xlane v3, v2  }
0x12b: {  	[tilespmem:s20], [sflag:$0x1] =	stream.indirect_vreg.gather [hbm4b:s2+s3], $0x80, v4, vm0, $0xb8;
	[tilespmem:$0x1B180] =	vst v63  }
0x12c: {  	v3 =	vadd.s32 v1, v3;
	s20 =	simm.s32 $0xC980  }
0x12d: {  	[tilespmem:s20], [sflag:$0x1] =	stream.indirect_vreg.gather [hbm4b:s5+s3], $0x80, v4, vm0, $0xb8;
	[tilespmem:$0x1B180] =	vst v63  }
0x12e: {  	s20 =	simm.s32 $0xD180  }
0x12f: {  	[tilespmem:s20], [sflag:$0x1] =	stream.indirect_vreg.gather [hbm4b:s6+s3], $0x80, v4, vm0, $0xb8;
	[tilespmem:$0x1B180] =	vst v63  }
0x130: {  	s20 =	simm.s32 $0xD980  }
0x131: {  	[tilespmem:s20], [sflag:$0x1] =	stream.indirect_vreg.gather [hbm4b:s2+s3], $0x80, v3, vm0, $0xb8;
	[tilespmem:$0x1B180] =	vst v63  }
0x132: {  	s20 =	simm.s32 $0xE180  }
0x133: {  	[tilespmem:s20], [sflag:$0x1] =	stream.indirect_vreg.gather [hbm4b:s5+s3], $0x80, v3, vm0, $0xb8;
	[tilespmem:$0x1B180] =	vst v63  }
0x134: {  	s20 =	simm.s32 $0xE980  }
0x135: {  	[tilespmem:s20], [sflag:$0x1] =	stream.indirect_vreg.gather [hbm4b:s6+s3], $0x80, v3, vm0, $0xb8;
	[tilespmem:$0x1B180] =	vst v63  }
0x136: {  	v3 =	vld [tilespmem:$0xE0];
	_ =	sdelay $0x4  }
0x137: {  	v60 =	vshrl.u32 v3, $0x3  }
0x138: {  	v4 =	vmul.u32 $0x30, v60  }
0x139: {  	v3 =	vand.u32 $0x7, v3  }
0x13a: {  	v3 =	vor.u32 v3, v4  }
0x13b: {  	v4 =	vperm.xlane v3, v0;
	_ =	sdelay $0x1  }
0x13c: {  	v4 =	vadd.s32 v1, v4;
	_ =	sdelay $0x3  }
0x13d: {  	s20 =	simm.s32 $0xF180;
	v3 =	vperm.xlane v3, v2  }
0x13e: {  	[tilespmem:s20], [sflag:$0x1] =	stream.indirect_vreg.gather [hbm4b:s2+s3], $0x80, v4, vm0, $0xb8;
	[tilespmem:$0x1B180] =	vst v63  }
0x13f: {  	v3 =	vadd.s32 v1, v3;
	s20 =	simm.s32 $0xF980  }
0x140: {  	[tilespmem:s20], [sflag:$0x1] =	stream.indirect_vreg.gather [hbm4b:s5+s3], $0x80, v4, vm0, $0xb8;
	[tilespmem:$0x1B180] =	vst v63  }
0x141: {  	s20 =	simm.s32 $0x10180  }
0x142: {  	[tilespmem:s20], [sflag:$0x1] =	stream.indirect_vreg.gather [hbm4b:s6+s3], $0x80, v4, vm0, $0xb8;
	[tilespmem:$0x1B180] =	vst v63  }
0x143: {  	s20 =	simm.s32 $0x10980  }
0x144: {  	[tilespmem:s20], [sflag:$0x1] =	stream.indirect_vreg.gather [hbm4b:s2+s3], $0x80, v3, vm0, $0xb8;
	[tilespmem:$0x1B180] =	vst v63  }
0x145: {  	s20 =	simm.s32 $0x11180  }
0x146: {  	[tilespmem:s20], [sflag:$0x1] =	stream.indirect_vreg.gather [hbm4b:s5+s3], $0x80, v3, vm0, $0xb8;
	[tilespmem:$0x1B180] =	vst v63  }
0x147: {  	s20 =	simm.s32 $0x11980  }
0x148: {  	[tilespmem:s20], [sflag:$0x1] =	stream.indirect_vreg.gather [hbm4b:s6+s3], $0x80, v3, vm0, $0xb8;
	[tilespmem:$0x1B180] =	vst v63  }
0x149: {  	_ =	swait.ge [sflag:s22], $0x9000  }
0x14a: {  	[sflag:s22] =	ssyncset.done $0x0  }
0x14b: {  	s1 =	rddreg [dreg:$0x7];
	[sflag:s22] =	ssyncadd.s32 $0xFFFF7000  }
0x14c: {  	[hbm4b:s1+s3] =	stream.linear.scatter [tilespmem:s28], [sflag:$0x2], $0x9000, $0x38;
	[tilespmem:$0x1B180] =	vst v63  }
0x14d: {  	_ =	swait.ge [sflag:s19], $0x9000  }
0x14e: {  	[sflag:s19] =	ssyncset.done $0x0  }
0x14f: {  	[sflag:s19] =	ssyncadd.s32 $0xFFFF7000  }
0x150: {  	v3 =	vld [tilespmem:$0xF0];
	_ =	sdelay $0x4  }
0x151: {  	v61 =	vshrl.u32 v3, $0x3  }
0x152: {  	v4 =	vmul.u32 $0x30, v61  }
0x153: {  	v3 =	vand.u32 $0x7, v3  }
0x154: {  	v3 =	vor.u32 v3, v4  }
0x155: {  	v4 =	vperm.xlane v3, v0;
	_ =	sdelay $0x1  }
0x156: {  	v4 =	vadd.s32 v1, v4;
	_ =	sdelay $0x3  }
0x157: {  	v3 =	vperm.xlane v3, v2  }
0x158: {  	[tilespmem:s0], [sflag:$0x1] =	stream.indirect_vreg.gather [hbm4b:s2+s3], $0x80, v4, vm0, $0xb8;
	[tilespmem:$0x1B180] =	vst v63  }
0x159: {  	s20 =	simm.s32 $0x12980;
	v3 =	vadd.s32 v1, v3  }
0x15a: {  	[tilespmem:s20], [sflag:$0x1] =	stream.indirect_vreg.gather [hbm4b:s5+s3], $0x80, v4, vm0, $0xb8;
	[tilespmem:$0x1B180] =	vst v63  }
0x15b: {  	s20 =	simm.s32 $0x13180  }
0x15c: {  	[tilespmem:s20], [sflag:$0x1] =	stream.indirect_vreg.gather [hbm4b:s6+s3], $0x80, v4, vm0, $0xb8;
	[tilespmem:$0x1B180] =	vst v63  }
0x15d: {  	s20 =	simm.s32 $0x13980  }
0x15e: {  	[tilespmem:s20], [sflag:$0x1] =	stream.indirect_vreg.gather [hbm4b:s2+s3], $0x80, v3, vm0, $0xb8;
	[tilespmem:$0x1B180] =	vst v63  }
0x15f: {  	s20 =	simm.s32 $0x14180  }
0x160: {  	[tilespmem:s20], [sflag:$0x1] =	stream.indirect_vreg.gather [hbm4b:s5+s3], $0x80, v3, vm0, $0xb8;
	[tilespmem:$0x1B180] =	vst v63  }
0x161: {  	s20 =	simm.s32 $0x14980  }
0x162: {  	[tilespmem:s20], [sflag:$0x1] =	stream.indirect_vreg.gather [hbm4b:s6+s3], $0x80, v3, vm0, $0xb8;
	[tilespmem:$0x1B180] =	vst v63  }
0x163: {  	v3 =	vld [tilespmem:$0x100];
	_ =	sdelay $0x4  }
0x164: {  	v62 =	vshrl.u32 v3, $0x3  }
0x165: {  	v4 =	vmul.u32 $0x30, v62  }
0x166: {  	v3 =	vand.u32 $0x7, v3  }
0x167: {  	v3 =	vor.u32 v3, v4  }
0x168: {  	v4 =	vperm.xlane v3, v0;
	_ =	sdelay $0x1  }
0x169: {  	v4 =	vadd.s32 v1, v4;
	_ =	sdelay $0x3  }
0x16a: {  	s20 =	simm.s32 $0x15180;
	v3 =	vperm.xlane v3, v2  }
0x16b: {  	[tilespmem:s20], [sflag:$0x1] =	stream.indirect_vreg.gather [hbm4b:s2+s3], $0x80, v4, vm0, $0xb8;
	[tilespmem:$0x1B180] =	vst v63  }
0x16c: {  	v3 =	vadd.s32 v1, v3;
	s20 =	simm.s32 $0x15980  }
0x16d: {  	[tilespmem:s20], [sflag:$0x1] =	stream.indirect_vreg.gather [hbm4b:s5+s3], $0x80, v4, vm0, $0xb8;
	[tilespmem:$0x1B180] =	vst v63  }
0x16e: {  	s20 =	simm.s32 $0x16180  }
0x16f: {  	[tilespmem:s20], [sflag:$0x1] =	stream.indirect_vreg.gather [hbm4b:s6+s3], $0x80, v4, vm0, $0xb8;
	[tilespmem:$0x1B180] =	vst v63  }
0x170: {  	s20 =	simm.s32 $0x16980  }
0x171: {  	[tilespmem:s20], [sflag:$0x1] =	stream.indirect_vreg.gather [hbm4b:s2+s3], $0x80, v3, vm0, $0xb8;
	[tilespmem:$0x1B180] =	vst v63  }
0x172: {  	s20 =	simm.s32 $0x17180  }
0x173: {  	[tilespmem:s20], [sflag:$0x1] =	stream.indirect_vreg.gather [hbm4b:s5+s3], $0x80, v3, vm0, $0xb8;
	[tilespmem:$0x1B180] =	vst v63  }
0x174: {  	s20 =	simm.s32 $0x17980  }
0x175: {  	[tilespmem:s20], [sflag:$0x1] =	stream.indirect_vreg.gather [hbm4b:s6+s3], $0x80, v3, vm0, $0xb8;
	[tilespmem:$0x1B180] =	vst v63  }
0x176: {  	v3 =	vld [tilespmem:$0x110];
	_ =	sdelay $0x4  }
0x177: {  	v63 =	vshrl.u32 v3, $0x3  }
0x178: {  	v4 =	vmul.u32 $0x30, v63  }
0x179: {  	v3 =	vand.u32 $0x7, v3  }
0x17a: {  	v3 =	vor.u32 v3, v4  }
0x17b: {  	v4 =	vperm.xlane v3, v0;
	_ =	sdelay $0x1  }
0x17c: {  	v4 =	vadd.s32 v1, v4;
	_ =	sdelay $0x3  }
0x17d: {  	s20 =	simm.s32 $0x18180;
	v3 =	vperm.xlane v3, v2  }
0x17e: {  	[tilespmem:s20], [sflag:$0x1] =	stream.indirect_vreg.gather [hbm4b:s2+s3], $0x80, v4, vm0, $0xb8;
	[tilespmem:$0x1B180] =	vst v63  }
0x17f: {  	v3 =	vadd.s32 v1, v3;
	s20 =	simm.s32 $0x18980  }
0x180: {  	[tilespmem:s20], [sflag:$0x1] =	stream.indirect_vreg.gather [hbm4b:s5+s3], $0x80, v4, vm0, $0xb8;
	[tilespmem:$0x1B180] =	vst v63  }
0x181: {  	s20 =	simm.s32 $0x19180  }
0x182: {  	[tilespmem:s20], [sflag:$0x1] =	stream.indirect_vreg.gather [hbm4b:s6+s3], $0x80, v4, vm0, $0xb8;
	[tilespmem:$0x1B180] =	vst v63  }
0x183: {  	s20 =	simm.s32 $0x19980  }
0x184: {  	[tilespmem:s20], [sflag:$0x1] =	stream.indirect_vreg.gather [hbm4b:s2+s3], $0x80, v3, vm0, $0xb8;
	[tilespmem:$0x1B180] =	vst v63  }
0x185: {  	s20 =	simm.s32 $0x1A180  }
0x186: {  	[tilespmem:s20], [sflag:$0x1] =	stream.indirect_vreg.gather [hbm4b:s5+s3], $0x80, v3, vm0, $0xb8;
	[tilespmem:$0x1B180] =	vst v63  }
0x187: {  	s20 =	simm.s32 $0x1A980  }
0x188: {  	[tilespmem:s20], [sflag:$0x1] =	stream.indirect_vreg.gather [hbm4b:s6+s3], $0x80, v3, vm0, $0xb8;
	[tilespmem:$0x1B180] =	vst v63  }
0x189: {  	_ =	swait.ge [sflag:s22], $0x9000  }
0x18a: {  	[sflag:s22] =	ssyncset.done $0x0  }
0x18b: {  	s1 =	rddreg [dreg:$0x8];
	[sflag:s22] =	ssyncadd.s32 $0xFFFF7000  }
0x18c: {  	[hbm4b:s1+s3] =	stream.linear.scatter [tilespmem:s23], [sflag:$0x2], $0x9000, $0x38;
	[tilespmem:$0x1B180] =	vst v63  }
0x18d: {  	_ =	swait.ge [sflag:s22], $0x9000  }
0x18e: {  	[sflag:s22] =	ssyncset.done $0x0  }
0x18f: {  	s1 =	rddreg [dreg:$0x9];
	[sflag:s22] =	ssyncadd.s32 $0xFFFF7000  }
0x190: {  	[hbm4b:s1+s3] =	stream.linear.scatter [tilespmem:s0], [sflag:$0x2], $0x9000, $0x38;
	[tilespmem:$0x1B180] =	vst v63  }
0x191: {  	_ =	swait.ge [sflag:s19], $0x9000  }
0x192: {  	[sflag:s19] =	ssyncset.done $0x0  }
0x193: {  	[sflag:s19] =	ssyncadd.s32 $0xFFFF7000  }
0x194: {  	p0 =	sne.s32 s7, $0x1;
	_ =	swait.ge [sflag:s19], $0x9000  }
.Ltmp0:
0x195: {  	[sflag:s19] =	ssyncset.done $0x0;
	(pc) =	sbr.rel @p0 .LBB2_1-.Ltmp0, $4  }
0x196: {  	[sflag:s19] =	ssyncadd.s32 $0xFFFF7000  }
0x197: {  	_ =	swait.ge [sflag:s19], $0x9000  }
0x198: {  	[sflag:s19] =	ssyncset.done $0x0  }
0x199: {  	s7 =	sadd.s32 $0xFFFFFFFF, s7;
	[sflag:s19] =	ssyncadd.s32 $0xFFFF7000  }
0x19a: {  	_ =	sfence.sel $0x180000  }
0x19b: {  	[bflag:$0x0] =	sbarrier.arrive $0xFFFF  }
0x19c: {  	_ =	strace $0x90000047  }
0x19d: {  	s0 =	stileid.u32;
	[bflag:$0x2] =	sbarrier.arrive $0xFFFF  }
0x19e: {  	p0 =	sne.s32 s0, $0x0;
	s0 =	rddreg [dreg:$0x3]  }
0x19f: {  	s0 =	sadd.s32 @!p0 $0x100000, s0  }
0x1a0: {  	[sflag:s0] =	ssyncadd.tile.s32 @!p0 $0x1;
	_ =	shalt  }
.Lfunc_end2:
_tile_overlayer_lowered:
.L_overlay_start_2:
0x1a1: {  	(tag) =	ssettag $0x2  }
0x1a2: {  	s0 =	rddreg [dreg:$0x0];
	s2 =	stileid.u32  }
0x1a3: {  	s1 =	rddreg [dreg:$0x1];
	p0 =	sne.s32 s2, $0x0  }
0x1a4: {  	s3 =	rddreg [dreg:$0x2];
	[bflag:$0x3] =	sbarrier.arrive $0xFFFF;
	s2 =	simm.s32 @!p0 $0x1C03  }
0x1a5: {  	[timem:s3], [sflag:s2] =	dma.local @!p0 [hbm:s0], s1  }
0x1a6: {  	s0 =	simm.s32 @!p0 $0x3  }
0x1a7: {  	_ =	swait.ge @!p0 [sflag:s0], s1  }
0x1a8: {  	s1 =	ssub.s32 @!p0 $0x0, s1;
	[sflag:s0] =	ssyncset.done @!p0 $0x0  }
0x1a9: {  	[sflag:s0] =	ssyncadd.s32 @!p0 s1  }
0x1aa: {  	[bflag:$0x3] =	sbarrier.arrive $0xFFFF  }
0x1ab: {  	_ =	shalt  }

</sc_bundles>
